<compile_context>
chip_gen: v7x
topology: tpu7x:2x2x1
jax: 0.10.2.dev20260603
libtpu: 0.0.44.dev20260713+nightly
codegen_flags: <defaults>
</compile_context>

<pallas_src>
import jax
import jax.numpy as jnp
from jax import lax
from jax.experimental import pallas as pl
from jax.experimental.pallas import tpu as pltpu
from jax.experimental.pallas import tpu_sc as plsc

B, S, D = 4, 8192, 128
FLAT = B * S
NC, NS = 2, 16
NW = NC * NS
PER_W = FLAT // NW
CHUNK = 128
N_CHUNKS = PER_W // CHUNK


NBUF = 5
GDEPTH = 3
SPAN = FLAT // NW // B
JCH = SPAN // CHUNK


def _emb_body(ids_hbm, tok_hbm, pos_hbm, out_hbm, idx_v, pos_sh, row_v,
              isem, psem, lsem, *gssems):
    gsems = list(gssems[:NBUF])
    ssems = list(gssems[NBUF:])
    sid = lax.axis_index("s")
    wid = sid * NC + lax.axis_index("c")
    s_base = wid * SPAN

    pos_stage = pltpu.async_copy(pos_hbm.at[pl.ds(s_base, SPAN)],
                                 pos_sh.at[sid], psem)
    idx_loads = [
        pltpu.async_copy(ids_hbm.at[b, pl.ds(s_base, SPAN)],
                         idx_v.at[b], isem)
        for b in range(B)
    ]

    def chunk_coords(c):
        b, j = divmod(c, JCH)
        return b, j, s_base + j * CHUNK

    def start_init(c):
        slot = c % NBUF
        _, j, _ = chunk_coords(c)
        return pltpu.async_copy(pos_sh.at[sid, pl.ds(j * CHUNK, CHUNK)],
                                row_v.at[slot], lsem)

    def start_store(c):
        slot = c % NBUF
        b, _, srow = chunk_coords(c)
        return pltpu.async_copy(row_v.at[slot],
                                out_hbm.at[b, pl.ds(srow, CHUNK)], ssems[slot])

    pos_stage.wait()
    inits = {0: start_init(0), 1: start_init(1)}
    gathers = {}
    stores = {}
    for d in idx_loads:
        d.wait()
    for c in range(N_CHUNKS):
        slot = c % NBUF
        b, j, _ = chunk_coords(c)
        inits.pop(c).wait()
        gathers[c] = pltpu.async_copy(
            tok_hbm.at[idx_v.at[b, pl.ds(j * CHUNK, CHUNK)]],
            row_v.at[slot], gsems[slot], add=True)
        if c + 2 < N_CHUNKS:
            if c - GDEPTH >= 0:
                stores.pop(c - GDEPTH).wait()
            inits[c + 2] = start_init(c + 2)
        if c - (GDEPTH - 1) >= 0:
            p = c - (GDEPTH - 1)
            gathers.pop(p).wait()
            stores[p] = start_store(p)
    for p in range(N_CHUNKS - (GDEPTH - 1), N_CHUNKS):
        gathers.pop(p).wait()
        stores[p] = start_store(p)
    for c in sorted(stores):
        stores.pop(c).wait()


def kernel(token_ids, tok_emb, pos_emb):
    ids = token_ids.astype(jnp.int32)
    mesh = plsc.VectorSubcoreMesh(
        core_axis_name="c", subcore_axis_name="s",
        num_cores=NC, num_subcores=NS,
    )
    out = pl.kernel(
        _emb_body,
        out_type=jax.ShapeDtypeStruct((B, S, D), jnp.float32),
        mesh=mesh,
        scratch_types=(
            [pltpu.VMEM((B, SPAN), jnp.int32),
             pltpu.VMEM_SHARED((NS, SPAN, D), jnp.float32),
             pltpu.VMEM((NBUF, CHUNK, D), jnp.float32)]
            + [pltpu.SemaphoreType.DMA] * (3 + 2 * NBUF)
        ),
    )(ids, tok_emb, pos_emb)
    return out

# --- scband reference (transcript-rebuilt; emitter-appended) ---
"""Pipeline reference for scband-gptembedding-17729624998116 (READ-ONLY COPY).

The authoritative reference and input builder live on the scoring server;
editing this copy changes nothing except your own understanding.
"""

import jax, jax.numpy as jnp
import numpy as np

VOCAB_SIZE = 100000
EMB_DIM = 128
CONTEXT_SIZE = 8192
BATCH = 4
SEQ_LEN = 8192


def setup_inputs(seed: int = 0) -> dict:
    key = jax.random.key(seed)
    k_ids, k_tok, k_pos = jax.random.split(key, 3)
    token_ids = jax.random.randint(k_ids, (BATCH, SEQ_LEN), 0, VOCAB_SIZE, dtype=jnp.int64 if jax.config.jax_enable_x64 else jnp.int32)
    tok_emb = jax.random.normal(k_tok, (VOCAB_SIZE, EMB_DIM), dtype=jnp.float32) * 0.02
    pos_emb = jax.random.normal(k_pos, (CONTEXT_SIZE, EMB_DIM), dtype=jnp.float32) * 0.02
    return {"token_ids": token_ids, "tok_emb": tok_emb, "pos_emb": pos_emb}


def reference(token_ids, tok_emb, pos_emb):
    # tok_embeds = self.tok_emb(token_ids)
    tok_embeds = jnp.take(tok_emb, token_ids, axis=0)  # (B, S, D)
    # pos_ids = arange(seq_len); pos_embeds = self.pos_emb(pos_ids)
    seq_len = token_ids.shape[1]
    pos_ids = jnp.arange(seq_len)
    pos_embeds = jnp.take(pos_emb, pos_ids, axis=0)  # (S, D)
    # input_embeds = tok_embeds + pos_embeds (broadcast over batch)
    input_embeds = tok_embeds + pos_embeds[None, :, :]
    return input_embeds

if __name__ == "__main__":
    import jax
    _d = setup_inputs()
    print(jax.jit(kernel)(*tuple(_d.values())))

</pallas_src>

<mosaic_0001>
#map = affine_map<(d0, d1) -> (0, 0)>
#map1 = affine_map<(d0, d1) -> (0, 0, 0)>
module attributes {stable_mosaic.version = 14 : i64} {
  func.func @_emb_body(%arg0: i32, %arg1: i32, %arg2: memref<4x8192xi32, #tpu.memory_space<hbm>>, %arg3: memref<100000x128xf32, #tpu.memory_space<hbm>>, %arg4: memref<8192x128xf32, #tpu.memory_space<hbm>>, %arg5: memref<4x8192x128xf32, #tpu.memory_space<hbm>>, %arg6: memref<4x256xi32, #tpu.memory_space<vmem>>, %arg7: memref<16x256x128xf32, #tpu.memory_space<vmem_shared>>, %arg8: memref<5x128x128xf32, #tpu.memory_space<vmem>>, %arg9: memref<!tpu.dma_semaphore, #tpu.memory_space<semaphore_mem>>, %arg10: memref<!tpu.dma_semaphore, #tpu.memory_space<semaphore_mem>>, %arg11: memref<!tpu.dma_semaphore, #tpu.memory_space<semaphore_mem>>, %arg12: memref<!tpu.dma_semaphore, #tpu.memory_space<semaphore_mem>>, %arg13: memref<!tpu.dma_semaphore, #tpu.memory_space<semaphore_mem>>, %arg14: memref<!tpu.dma_semaphore, #tpu.memory_space<semaphore_mem>>, %arg15: memref<!tpu.dma_semaphore, #tpu.memory_space<semaphore_mem>>, %arg16: memref<!tpu.dma_semaphore, #tpu.memory_space<semaphore_mem>>, %arg17: memref<!tpu.dma_semaphore, #tpu.memory_space<semaphore_mem>>, %arg18: memref<!tpu.dma_semaphore, #tpu.memory_space<semaphore_mem>>, %arg19: memref<!tpu.dma_semaphore, #tpu.memory_space<semaphore_mem>>, %arg20: memref<!tpu.dma_semaphore, #tpu.memory_space<semaphore_mem>>, %arg21: memref<!tpu.dma_semaphore, #tpu.memory_space<semaphore_mem>>) attributes {dimension_semantics = [#tpu.dimension_semantics<core_parallel>, #tpu.dimension_semantics<subcore_parallel>], iteration_bounds = array<i64: 2, 16>, scalar_prefetch = 0 : i64, scratch_operands = 16 : i64, tpu.core_type = #tpu.core_type<sc_vector_subcore>, window_params = [{transform_indices = #map}, {transform_indices = #map}, {transform_indices = #map}, {transform_indices = #map1}]} {
    %mul3A = arith.constant 2 : i32
    %mul3A_0 = arith.muli %arg1, %mul3A : i32
    %add3A = arith.addi %mul3A_0, %arg0 : i32
    %mul3A_1 = arith.constant 256 : i32
    %mul3A_2 = arith.muli %add3A, %mul3A_1 : i32
    %dma_start3A = arith.constant 0 : i32
    %dma_start3A_3 = arith.constant 0 : i32
    %dma_start3A_4 = tpu.memref_slice %arg7[%arg1, %dma_start3A, %dma_start3A_3] : memref<16x256x128xf32, #tpu.memory_space<vmem_shared>> -> memref<1x256x128xf32, #tpu.memory_space<vmem_shared>>
    %dma_start3A_5 = tpu.memref_squeeze %dma_start3A_4 : memref<1x256x128xf32, #tpu.memory_space<vmem_shared>> -> memref<256x128xf32, #tpu.memory_space<vmem_shared>>
    %dma_start3A_6 = arith.constant 0 : i32
    %dma_start3A_7 = tpu.memref_slice %arg4[%mul3A_2, %dma_start3A_6] : memref<8192x128xf32, #tpu.memory_space<hbm>> -> memref<256x128xf32, #tpu.memory_space<hbm>>
    tpu.enqueue_dma source(%dma_start3A_7 : memref<256x128xf32, #tpu.memory_space<hbm>>) target(%dma_start3A_5 : memref<256x128xf32, #tpu.memory_space<vmem_shared>>) target_semaphore(%arg10 : memref<!tpu.dma_semaphore, #tpu.memory_space<semaphore_mem>>)
    %dma_start3A_8 = arith.constant 0 : i32
    %dma_start3A_9 = arith.constant 0 : i32
    %dma_start3A_10 = arith.constant 0 : i32
    %dma_start3A_11 = tpu.memref_slice %arg6[%dma_start3A_9, %dma_start3A_10] : memref<4x256xi32, #tpu.memory_space<vmem>> -> memref<1x256xi32, #tpu.memory_space<vmem>>
    %dma_start3A_12 = tpu.memref_squeeze %dma_start3A_11 : memref<1x256xi32, #tpu.memory_space<vmem>> -> memref<256xi32, #tpu.memory_space<vmem>>
    %dma_start3A_13 = tpu.memref_slice %arg2[%dma_start3A_8, %mul3A_2] : memref<4x8192xi32, #tpu.memory_space<hbm>> -> memref<1x256xi32, #tpu.memory_space<hbm>>
    %dma_start3A_14 = tpu.memref_squeeze %dma_start3A_13 : memref<1x256xi32, #tpu.memory_space<hbm>> -> memref<256xi32, #tpu.memory_space<hbm>>
    %dma_start3A_15 = arith.constant 0 : i32
    %dma_start3A_16 = tpu.memref_slice %arg6[%dma_start3A_9, %dma_start3A_15] : memref<4x256xi32, #tpu.memory_space<vmem>> -> memref<1x256xi32, #tpu.memory_space<vmem>>
    %dma_start3A_17 = tpu.memref_squeeze %dma_start3A_16 : memref<1x256xi32, #tpu.memory_space<vmem>> -> memref<256xi32, #tpu.memory_space<vmem>>
    %dma_start3A_18 = tpu.memref_slice %arg2[%dma_start3A_8, %mul3A_2] : memref<4x8192xi32, #tpu.memory_space<hbm>> -> memref<1x256xi32, #tpu.memory_space<hbm>>
    %dma_start3A_19 = tpu.memref_squeeze %dma_start3A_18 : memref<1x256xi32, #tpu.memory_space<hbm>> -> memref<256xi32, #tpu.memory_space<hbm>>
    tpu.enqueue_dma source(%dma_start3A_19 : memref<256xi32, #tpu.memory_space<hbm>>) target(%dma_start3A_17 : memref<256xi32, #tpu.memory_space<vmem>>) target_semaphore(%arg9 : memref<!tpu.dma_semaphore, #tpu.memory_space<semaphore_mem>>)
    %dma_start3A_20 = arith.constant 1 : i32
    %dma_start3A_21 = arith.constant 1 : i32
    %dma_start3A_22 = arith.constant 0 : i32
    %dma_start3A_23 = tpu.memref_slice %arg6[%dma_start3A_21, %dma_start3A_22] : memref<4x256xi32, #tpu.memory_space<vmem>> -> memref<1x256xi32, #tpu.memory_space<vmem>>
    %dma_start3A_24 = tpu.memref_squeeze %dma_start3A_23 : memref<1x256xi32, #tpu.memory_space<vmem>> -> memref<256xi32, #tpu.memory_space<vmem>>
    %dma_start3A_25 = tpu.memref_slice %arg2[%dma_start3A_20, %mul3A_2] : memref<4x8192xi32, #tpu.memory_space<hbm>> -> memref<1x256xi32, #tpu.memory_space<hbm>>
    %dma_start3A_26 = tpu.memref_squeeze %dma_start3A_25 : memref<1x256xi32, #tpu.memory_space<hbm>> -> memref<256xi32, #tpu.memory_space<hbm>>
    %dma_start3A_27 = arith.constant 0 : i32
    %dma_start3A_28 = tpu.memref_slice %arg6[%dma_start3A_21, %dma_start3A_27] : memref<4x256xi32, #tpu.memory_space<vmem>> -> memref<1x256xi32, #tpu.memory_space<vmem>>
    %dma_start3A_29 = tpu.memref_squeeze %dma_start3A_28 : memref<1x256xi32, #tpu.memory_space<vmem>> -> memref<256xi32, #tpu.memory_space<vmem>>
    %dma_start3A_30 = tpu.memref_slice %arg2[%dma_start3A_20, %mul3A_2] : memref<4x8192xi32, #tpu.memory_space<hbm>> -> memref<1x256xi32, #tpu.memory_space<hbm>>
    %dma_start3A_31 = tpu.memref_squeeze %dma_start3A_30 : memref<1x256xi32, #tpu.memory_space<hbm>> -> memref<256xi32, #tpu.memory_space<hbm>>
    tpu.enqueue_dma source(%dma_start3A_31 : memref<256xi32, #tpu.memory_space<hbm>>) target(%dma_start3A_29 : memref<256xi32, #tpu.memory_space<vmem>>) target_semaphore(%arg9 : memref<!tpu.dma_semaphore, #tpu.memory_space<semaphore_mem>>)
    %dma_start3A_32 = arith.constant 2 : i32
    %dma_start3A_33 = arith.constant 2 : i32
    %dma_start3A_34 = arith.constant 0 : i32
    %dma_start3A_35 = tpu.memref_slice %arg6[%dma_start3A_33, %dma_start3A_34] : memref<4x256xi32, #tpu.memory_space<vmem>> -> memref<1x256xi32, #tpu.memory_space<vmem>>
    %dma_start3A_36 = tpu.memref_squeeze %dma_start3A_35 : memref<1x256xi32, #tpu.memory_space<vmem>> -> memref<256xi32, #tpu.memory_space<vmem>>
    %dma_start3A_37 = tpu.memref_slice %arg2[%dma_start3A_32, %mul3A_2] : memref<4x8192xi32, #tpu.memory_space<hbm>> -> memref<1x256xi32, #tpu.memory_space<hbm>>
    %dma_start3A_38 = tpu.memref_squeeze %dma_start3A_37 : memref<1x256xi32, #tpu.memory_space<hbm>> -> memref<256xi32, #tpu.memory_space<hbm>>
    %dma_start3A_39 = arith.constant 0 : i32
    %dma_start3A_40 = tpu.memref_slice %arg6[%dma_start3A_33, %dma_start3A_39] : memref<4x256xi32, #tpu.memory_space<vmem>> -> memref<1x256xi32, #tpu.memory_space<vmem>>
    %dma_start3A_41 = tpu.memref_squeeze %dma_start3A_40 : memref<1x256xi32, #tpu.memory_space<vmem>> -> memref<256xi32, #tpu.memory_space<vmem>>
    %dma_start3A_42 = tpu.memref_slice %arg2[%dma_start3A_32, %mul3A_2] : memref<4x8192xi32, #tpu.memory_space<hbm>> -> memref<1x256xi32, #tpu.memory_space<hbm>>
    %dma_start3A_43 = tpu.memref_squeeze %dma_start3A_42 : memref<1x256xi32, #tpu.memory_space<hbm>> -> memref<256xi32, #tpu.memory_space<hbm>>
    tpu.enqueue_dma source(%dma_start3A_43 : memref<256xi32, #tpu.memory_space<hbm>>) target(%dma_start3A_41 : memref<256xi32, #tpu.memory_space<vmem>>) target_semaphore(%arg9 : memref<!tpu.dma_semaphore, #tpu.memory_space<semaphore_mem>>)
    %dma_start3A_44 = arith.constant 3 : i32
    %dma_start3A_45 = arith.constant 3 : i32
    %dma_start3A_46 = arith.constant 0 : i32
    %dma_start3A_47 = tpu.memref_slice %arg6[%dma_start3A_45, %dma_start3A_46] : memref<4x256xi32, #tpu.memory_space<vmem>> -> memref<1x256xi32, #tpu.memory_space<vmem>>
    %dma_start3A_48 = tpu.memref_squeeze %dma_start3A_47 : memref<1x256xi32, #tpu.memory_space<vmem>> -> memref<256xi32, #tpu.memory_space<vmem>>
    %dma_start3A_49 = tpu.memref_slice %arg2[%dma_start3A_44, %mul3A_2] : memref<4x8192xi32, #tpu.memory_space<hbm>> -> memref<1x256xi32, #tpu.memory_space<hbm>>
    %dma_start3A_50 = tpu.memref_squeeze %dma_start3A_49 : memref<1x256xi32, #tpu.memory_space<hbm>> -> memref<256xi32, #tpu.memory_space<hbm>>
    %dma_start3A_51 = arith.constant 0 : i32
    %dma_start3A_52 = tpu.memref_slice %arg6[%dma_start3A_45, %dma_start3A_51] : memref<4x256xi32, #tpu.memory_space<vmem>> -> memref<1x256xi32, #tpu.memory_space<vmem>>
    %dma_start3A_53 = tpu.memref_squeeze %dma_start3A_52 : memref<1x256xi32, #tpu.memory_space<vmem>> -> memref<256xi32, #tpu.memory_space<vmem>>
    %dma_start3A_54 = tpu.memref_slice %arg2[%dma_start3A_44, %mul3A_2] : memref<4x8192xi32, #tpu.memory_space<hbm>> -> memref<1x256xi32, #tpu.memory_space<hbm>>
    %dma_start3A_55 = tpu.memref_squeeze %dma_start3A_54 : memref<1x256xi32, #tpu.memory_space<hbm>> -> memref<256xi32, #tpu.memory_space<hbm>>
    tpu.enqueue_dma source(%dma_start3A_55 : memref<256xi32, #tpu.memory_space<hbm>>) target(%dma_start3A_53 : memref<256xi32, #tpu.memory_space<vmem>>) target_semaphore(%arg9 : memref<!tpu.dma_semaphore, #tpu.memory_space<semaphore_mem>>)
    %dma_wait3A = arith.constant 0 : i32
    %dma_wait3A_56 = arith.constant 0 : i32
    %dma_wait3A_57 = tpu.memref_slice %arg7[%arg1, %dma_wait3A, %dma_wait3A_56] : memref<16x256x128xf32, #tpu.memory_space<vmem_shared>> -> memref<1x256x128xf32, #tpu.memory_space<vmem_shared>>
    %dma_wait3A_58 = tpu.memref_squeeze %dma_wait3A_57 : memref<1x256x128xf32, #tpu.memory_space<vmem_shared>> -> memref<256x128xf32, #tpu.memory_space<vmem_shared>>
    %dma_wait3A_59 = arith.constant 0 : i32
    %dma_wait3A_60 = tpu.memref_slice %arg4[%mul3A_2, %dma_wait3A_59] : memref<8192x128xf32, #tpu.memory_space<hbm>> -> memref<256x128xf32, #tpu.memory_space<hbm>>
    tpu.wait_dma2 semaphore(%arg10 : memref<!tpu.dma_semaphore, #tpu.memory_space<semaphore_mem>>) src(%dma_wait3A_60 : memref<256x128xf32, #tpu.memory_space<hbm>>) dst(%dma_wait3A_58 : memref<256x128xf32, #tpu.memory_space<vmem_shared>>)
    %add3A_61 = arith.constant 0 : i32
    %add3A_62 = arith.addi %mul3A_2, %add3A_61 : i32
    %dma_start3A_63 = arith.constant 0 : i32
    %dma_start3A_64 = arith.constant 0 : i32
    %dma_start3A_65 = arith.constant 0 : i32
    %dma_start3A_66 = tpu.memref_slice %arg8[%dma_start3A_63, %dma_start3A_64, %dma_start3A_65] : memref<5x128x128xf32, #tpu.memory_space<vmem>> -> memref<1x128x128xf32, #tpu.memory_space<vmem>>
    %dma_start3A_67 = tpu.memref_squeeze %dma_start3A_66 : memref<1x128x128xf32, #tpu.memory_space<vmem>> -> memref<128x128xf32, #tpu.memory_space<vmem>>
    %dma_start3A_68 = arith.constant 0 : i32
    %dma_start3A_69 = arith.constant 0 : i32
    %dma_start3A_70 = tpu.memref_slice %arg7[%arg1, %dma_start3A_68, %dma_start3A_69] : memref<16x256x128xf32, #tpu.memory_space<vmem_shared>> -> memref<1x128x128xf32, #tpu.memory_space<vmem_shared>>
    %dma_start3A_71 = tpu.memref_squeeze %dma_start3A_70 : memref<1x128x128xf32, #tpu.memory_space<vmem_shared>> -> memref<128x128xf32, #tpu.memory_space<vmem_shared>>
    %dma_start3A_72 = arith.constant 0 : i32
    %dma_start3A_73 = arith.constant 0 : i32
    %dma_start3A_74 = tpu.memref_slice %arg8[%dma_start3A_63, %dma_start3A_72, %dma_start3A_73] : memref<5x128x128xf32, #tpu.memory_space<vmem>> -> memref<1x128x128xf32, #tpu.memory_space<vmem>>
    %dma_start3A_75 = tpu.memref_squeeze %dma_start3A_74 : memref<1x128x128xf32, #tpu.memory_space<vmem>> -> memref<128x128xf32, #tpu.memory_space<vmem>>
    %dma_start3A_76 = arith.constant 0 : i32
    %dma_start3A_77 = arith.constant 0 : i32
    %dma_start3A_78 = tpu.memref_slice %arg7[%arg1, %dma_start3A_76, %dma_start3A_77] : memref<16x256x128xf32, #tpu.memory_space<vmem_shared>> -> memref<1x128x128xf32, #tpu.memory_space<vmem_shared>>
    %dma_start3A_79 = tpu.memref_squeeze %dma_start3A_78 : memref<1x128x128xf32, #tpu.memory_space<vmem_shared>> -> memref<128x128xf32, #tpu.memory_space<vmem_shared>>
    tpu.enqueue_dma source(%dma_start3A_79 : memref<128x128xf32, #tpu.memory_space<vmem_shared>>) target(%dma_start3A_75 : memref<128x128xf32, #tpu.memory_space<vmem>>) target_semaphore(%arg11 : memref<!tpu.dma_semaphore, #tpu.memory_space<semaphore_mem>>)
    %add3A_80 = arith.constant 128 : i32
    %add3A_81 = arith.addi %mul3A_2, %add3A_80 : i32
    %dma_start3A_82 = arith.constant 1 : i32
    %dma_start3A_83 = arith.constant 0 : i32
    %dma_start3A_84 = arith.constant 0 : i32
    %dma_start3A_85 = tpu.memref_slice %arg8[%dma_start3A_82, %dma_start3A_83, %dma_start3A_84] : memref<5x128x128xf32, #tpu.memory_space<vmem>> -> memref<1x128x128xf32, #tpu.memory_space<vmem>>
    %dma_start3A_86 = tpu.memref_squeeze %dma_start3A_85 : memref<1x128x128xf32, #tpu.memory_space<vmem>> -> memref<128x128xf32, #tpu.memory_space<vmem>>
    %dma_start3A_87 = arith.constant 128 : i32
    %dma_start3A_88 = arith.constant 0 : i32
    %dma_start3A_89 = tpu.memref_slice %arg7[%arg1, %dma_start3A_87, %dma_start3A_88] : memref<16x256x128xf32, #tpu.memory_space<vmem_shared>> -> memref<1x128x128xf32, #tpu.memory_space<vmem_shared>>
    %dma_start3A_90 = tpu.memref_squeeze %dma_start3A_89 : memref<1x128x128xf32, #tpu.memory_space<vmem_shared>> -> memref<128x128xf32, #tpu.memory_space<vmem_shared>>
    %dma_start3A_91 = arith.constant 0 : i32
    %dma_start3A_92 = arith.constant 0 : i32
    %dma_start3A_93 = tpu.memref_slice %arg8[%dma_start3A_82, %dma_start3A_91, %dma_start3A_92] : memref<5x128x128xf32, #tpu.memory_space<vmem>> -> memref<1x128x128xf32, #tpu.memory_space<vmem>>
    %dma_start3A_94 = tpu.memref_squeeze %dma_start3A_93 : memref<1x128x128xf32, #tpu.memory_space<vmem>> -> memref<128x128xf32, #tpu.memory_space<vmem>>
    %dma_start3A_95 = arith.constant 128 : i32
    %dma_start3A_96 = arith.constant 0 : i32
    %dma_start3A_97 = tpu.memref_slice %arg7[%arg1, %dma_start3A_95, %dma_start3A_96] : memref<16x256x128xf32, #tpu.memory_space<vmem_shared>> -> memref<1x128x128xf32, #tpu.memory_space<vmem_shared>>
    %dma_start3A_98 = tpu.memref_squeeze %dma_start3A_97 : memref<1x128x128xf32, #tpu.memory_space<vmem_shared>> -> memref<128x128xf32, #tpu.memory_space<vmem_shared>>
    tpu.enqueue_dma source(%dma_start3A_98 : memref<128x128xf32, #tpu.memory_space<vmem_shared>>) target(%dma_start3A_94 : memref<128x128xf32, #tpu.memory_space<vmem>>) target_semaphore(%arg11 : memref<!tpu.dma_semaphore, #tpu.memory_space<semaphore_mem>>)
    %dma_wait3A_99 = arith.constant 0 : i32
    %dma_wait3A_100 = arith.constant 0 : i32
    %dma_wait3A_101 = arith.constant 0 : i32
    %dma_wait3A_102 = tpu.memref_slice %arg6[%dma_wait3A_100, %dma_wait3A_101] : memref<4x256xi32, #tpu.memory_space<vmem>> -> memref<1x256xi32, #tpu.memory_space<vmem>>
    %dma_wait3A_103 = tpu.memref_squeeze %dma_wait3A_102 : memref<1x256xi32, #tpu.memory_space<vmem>> -> memref<256xi32, #tpu.memory_space<vmem>>
    %dma_wait3A_104 = tpu.memref_slice %arg2[%dma_wait3A_99, %mul3A_2] : memref<4x8192xi32, #tpu.memory_space<hbm>> -> memref<1x256xi32, #tpu.memory_space<hbm>>
    %dma_wait3A_105 = tpu.memref_squeeze %dma_wait3A_104 : memref<1x256xi32, #tpu.memory_space<hbm>> -> memref<256xi32, #tpu.memory_space<hbm>>
    %dma_wait3A_106 = arith.constant 0 : i32
    %dma_wait3A_107 = tpu.memref_slice %arg6[%dma_wait3A_100, %dma_wait3A_106] : memref<4x256xi32, #tpu.memory_space<vmem>> -> memref<1x256xi32, #tpu.memory_space<vmem>>
    %dma_wait3A_108 = tpu.memref_squeeze %dma_wait3A_107 : memref<1x256xi32, #tpu.memory_space<vmem>> -> memref<256xi32, #tpu.memory_space<vmem>>
    %dma_wait3A_109 = tpu.memref_slice %arg2[%dma_wait3A_99, %mul3A_2] : memref<4x8192xi32, #tpu.memory_space<hbm>> -> memref<1x256xi32, #tpu.memory_space<hbm>>
    %dma_wait3A_110 = tpu.memref_squeeze %dma_wait3A_109 : memref<1x256xi32, #tpu.memory_space<hbm>> -> memref<256xi32, #tpu.memory_space<hbm>>
    tpu.wait_dma2 semaphore(%arg9 : memref<!tpu.dma_semaphore, #tpu.memory_space<semaphore_mem>>) src(%dma_wait3A_110 : memref<256xi32, #tpu.memory_space<hbm>>) dst(%dma_wait3A_108 : memref<256xi32, #tpu.memory_space<vmem>>)
    %dma_wait3A_111 = arith.constant 1 : i32
    %dma_wait3A_112 = arith.constant 1 : i32
    %dma_wait3A_113 = arith.constant 0 : i32
    %dma_wait3A_114 = tpu.memref_slice %arg6[%dma_wait3A_112, %dma_wait3A_113] : memref<4x256xi32, #tpu.memory_space<vmem>> -> memref<1x256xi32, #tpu.memory_space<vmem>>
    %dma_wait3A_115 = tpu.memref_squeeze %dma_wait3A_114 : memref<1x256xi32, #tpu.memory_space<vmem>> -> memref<256xi32, #tpu.memory_space<vmem>>
    %dma_wait3A_116 = tpu.memref_slice %arg2[%dma_wait3A_111, %mul3A_2] : memref<4x8192xi32, #tpu.memory_space<hbm>> -> memref<1x256xi32, #tpu.memory_space<hbm>>
    %dma_wait3A_117 = tpu.memref_squeeze %dma_wait3A_116 : memref<1x256xi32, #tpu.memory_space<hbm>> -> memref<256xi32, #tpu.memory_space<hbm>>
    %dma_wait3A_118 = arith.constant 0 : i32
    %dma_wait3A_119 = tpu.memref_slice %arg6[%dma_wait3A_112, %dma_wait3A_118] : memref<4x256xi32, #tpu.memory_space<vmem>> -> memref<1x256xi32, #tpu.memory_space<vmem>>
    %dma_wait3A_120 = tpu.memref_squeeze %dma_wait3A_119 : memref<1x256xi32, #tpu.memory_space<vmem>> -> memref<256xi32, #tpu.memory_space<vmem>>
    %dma_wait3A_121 = tpu.memref_slice %arg2[%dma_wait3A_111, %mul3A_2] : memref<4x8192xi32, #tpu.memory_space<hbm>> -> memref<1x256xi32, #tpu.memory_space<hbm>>
    %dma_wait3A_122 = tpu.memref_squeeze %dma_wait3A_121 : memref<1x256xi32, #tpu.memory_space<hbm>> -> memref<256xi32, #tpu.memory_space<hbm>>
    tpu.wait_dma2 semaphore(%arg9 : memref<!tpu.dma_semaphore, #tpu.memory_space<semaphore_mem>>) src(%dma_wait3A_122 : memref<256xi32, #tpu.memory_space<hbm>>) dst(%dma_wait3A_120 : memref<256xi32, #tpu.memory_space<vmem>>)
    %dma_wait3A_123 = arith.constant 2 : i32
    %dma_wait3A_124 = arith.constant 2 : i32
    %dma_wait3A_125 = arith.constant 0 : i32
    %dma_wait3A_126 = tpu.memref_slice %arg6[%dma_wait3A_124, %dma_wait3A_125] : memref<4x256xi32, #tpu.memory_space<vmem>> -> memref<1x256xi32, #tpu.memory_space<vmem>>
    %dma_wait3A_127 = tpu.memref_squeeze %dma_wait3A_126 : memref<1x256xi32, #tpu.memory_space<vmem>> -> memref<256xi32, #tpu.memory_space<vmem>>
    %dma_wait3A_128 = tpu.memref_slice %arg2[%dma_wait3A_123, %mul3A_2] : memref<4x8192xi32, #tpu.memory_space<hbm>> -> memref<1x256xi32, #tpu.memory_space<hbm>>
    %dma_wait3A_129 = tpu.memref_squeeze %dma_wait3A_128 : memref<1x256xi32, #tpu.memory_space<hbm>> -> memref<256xi32, #tpu.memory_space<hbm>>
    %dma_wait3A_130 = arith.constant 0 : i32
    %dma_wait3A_131 = tpu.memref_slice %arg6[%dma_wait3A_124, %dma_wait3A_130] : memref<4x256xi32, #tpu.memory_space<vmem>> -> memref<1x256xi32, #tpu.memory_space<vmem>>
    %dma_wait3A_132 = tpu.memref_squeeze %dma_wait3A_131 : memref<1x256xi32, #tpu.memory_space<vmem>> -> memref<256xi32, #tpu.memory_space<vmem>>
    %dma_wait3A_133 = tpu.memref_slice %arg2[%dma_wait3A_123, %mul3A_2] : memref<4x8192xi32, #tpu.memory_space<hbm>> -> memref<1x256xi32, #tpu.memory_space<hbm>>
    %dma_wait3A_134 = tpu.memref_squeeze %dma_wait3A_133 : memref<1x256xi32, #tpu.memory_space<hbm>> -> memref<256xi32, #tpu.memory_space<hbm>>
    tpu.wait_dma2 semaphore(%arg9 : memref<!tpu.dma_semaphore, #tpu.memory_space<semaphore_mem>>) src(%dma_wait3A_134 : memref<256xi32, #tpu.memory_space<hbm>>) dst(%dma_wait3A_132 : memref<256xi32, #tpu.memory_space<vmem>>)
    %dma_wait3A_135 = arith.constant 3 : i32
    %dma_wait3A_136 = arith.constant 3 : i32
    %dma_wait3A_137 = arith.constant 0 : i32
    %dma_wait3A_138 = tpu.memref_slice %arg6[%dma_wait3A_136, %dma_wait3A_137] : memref<4x256xi32, #tpu.memory_space<vmem>> -> memref<1x256xi32, #tpu.memory_space<vmem>>
    %dma_wait3A_139 = tpu.memref_squeeze %dma_wait3A_138 : memref<1x256xi32, #tpu.memory_space<vmem>> -> memref<256xi32, #tpu.memory_space<vmem>>
    %dma_wait3A_140 = tpu.memref_slice %arg2[%dma_wait3A_135, %mul3A_2] : memref<4x8192xi32, #tpu.memory_space<hbm>> -> memref<1x256xi32, #tpu.memory_space<hbm>>
    %dma_wait3A_141 = tpu.memref_squeeze %dma_wait3A_140 : memref<1x256xi32, #tpu.memory_space<hbm>> -> memref<256xi32, #tpu.memory_space<hbm>>
    %dma_wait3A_142 = arith.constant 0 : i32
    %dma_wait3A_143 = tpu.memref_slice %arg6[%dma_wait3A_136, %dma_wait3A_142] : memref<4x256xi32, #tpu.memory_space<vmem>> -> memref<1x256xi32, #tpu.memory_space<vmem>>
    %dma_wait3A_144 = tpu.memref_squeeze %dma_wait3A_143 : memref<1x256xi32, #tpu.memory_space<vmem>> -> memref<256xi32, #tpu.memory_space<vmem>>
    %dma_wait3A_145 = tpu.memref_slice %arg2[%dma_wait3A_135, %mul3A_2] : memref<4x8192xi32, #tpu.memory_space<hbm>> -> memref<1x256xi32, #tpu.memory_space<hbm>>
    %dma_wait3A_146 = tpu.memref_squeeze %dma_wait3A_145 : memref<1x256xi32, #tpu.memory_space<hbm>> -> memref<256xi32, #tpu.memory_space<hbm>>
    tpu.wait_dma2 semaphore(%arg9 : memref<!tpu.dma_semaphore, #tpu.memory_space<semaphore_mem>>) src(%dma_wait3A_146 : memref<256xi32, #tpu.memory_space<hbm>>) dst(%dma_wait3A_144 : memref<256xi32, #tpu.memory_space<vmem>>)
    %add3A_147 = arith.constant 0 : i32
    %add3A_148 = arith.addi %mul3A_2, %add3A_147 : i32
    %dma_wait3A_149 = arith.constant 0 : i32
    %dma_wait3A_150 = arith.constant 0 : i32
    %dma_wait3A_151 = arith.constant 0 : i32
    %dma_wait3A_152 = tpu.memref_slice %arg8[%dma_wait3A_149, %dma_wait3A_150, %dma_wait3A_151] : memref<5x128x128xf32, #tpu.memory_space<vmem>> -> memref<1x128x128xf32, #tpu.memory_space<vmem>>
    %dma_wait3A_153 = tpu.memref_squeeze %dma_wait3A_152 : memref<1x128x128xf32, #tpu.memory_space<vmem>> -> memref<128x128xf32, #tpu.memory_space<vmem>>
    %dma_wait3A_154 = arith.constant 0 : i32
    %dma_wait3A_155 = arith.constant 0 : i32
    %dma_wait3A_156 = tpu.memref_slice %arg7[%arg1, %dma_wait3A_154, %dma_wait3A_155] : memref<16x256x128xf32, #tpu.memory_space<vmem_shared>> -> memref<1x128x128xf32, #tpu.memory_space<vmem_shared>>
    %dma_wait3A_157 = tpu.memref_squeeze %dma_wait3A_156 : memref<1x128x128xf32, #tpu.memory_space<vmem_shared>> -> memref<128x128xf32, #tpu.memory_space<vmem_shared>>
    %dma_wait3A_158 = arith.constant 0 : i32
    %dma_wait3A_159 = arith.constant 0 : i32
    %dma_wait3A_160 = tpu.memref_slice %arg8[%dma_wait3A_149, %dma_wait3A_158, %dma_wait3A_159] : memref<5x128x128xf32, #tpu.memory_space<vmem>> -> memref<1x128x128xf32, #tpu.memory_space<vmem>>
    %dma_wait3A_161 = tpu.memref_squeeze %dma_wait3A_160 : memref<1x128x128xf32, #tpu.memory_space<vmem>> -> memref<128x128xf32, #tpu.memory_space<vmem>>
    %dma_wait3A_162 = arith.constant 0 : i32
    %dma_wait3A_163 = arith.constant 0 : i32
    %dma_wait3A_164 = tpu.memref_slice %arg7[%arg1, %dma_wait3A_162, %dma_wait3A_163] : memref<16x256x128xf32, #tpu.memory_space<vmem_shared>> -> memref<1x128x128xf32, #tpu.memory_space<vmem_shared>>
    %dma_wait3A_165 = tpu.memref_squeeze %dma_wait3A_164 : memref<1x128x128xf32, #tpu.memory_space<vmem_shared>> -> memref<128x128xf32, #tpu.memory_space<vmem_shared>>
    tpu.wait_dma2 semaphore(%arg11 : memref<!tpu.dma_semaphore, #tpu.memory_space<semaphore_mem>>) src(%dma_wait3A_165 : memref<128x128xf32, #tpu.memory_space<vmem_shared>>) dst(%dma_wait3A_161 : memref<128x128xf32, #tpu.memory_space<vmem>>)
    %dma_start3A_166 = arith.constant 0 : i32
    %dma_start3A_167 = arith.constant 0 : i32
    %dma_start3A_168 = arith.constant 0 : i32
    %dma_start3A_169 = arith.constant 0 : i32
    %dma_start3A_170 = tpu.memref_slice %arg8[%dma_start3A_167, %dma_start3A_168, %dma_start3A_169] : memref<5x128x128xf32, #tpu.memory_space<vmem>> -> memref<1x128x128xf32, #tpu.memory_space<vmem>>
    %dma_start3A_171 = tpu.memref_squeeze %dma_start3A_170 : memref<1x128x128xf32, #tpu.memory_space<vmem>> -> memref<128x128xf32, #tpu.memory_space<vmem>>
    %dma_start3A_172 = arith.constant 0 : i32
    %dma_start3A_173 = tpu.memref_slice %arg6[%dma_start3A_166, %dma_start3A_172] : memref<4x256xi32, #tpu.memory_space<vmem>> -> memref<1x128xi32, #tpu.memory_space<vmem>>
    %dma_start3A_174 = tpu.memref_squeeze %dma_start3A_173 : memref<1x128xi32, #tpu.memory_space<vmem>> -> memref<128xi32, #tpu.memory_space<vmem>>
    %dma_start3A_175 = arith.constant 0 : i32
    %dma_start3A_176 = arith.constant 0 : i32
    %dma_start3A_177 = tpu.memref_slice %arg3[%dma_start3A_175, %dma_start3A_176] : memref<100000x128xf32, #tpu.memory_space<hbm>> -> memref<100000x128xf32, #tpu.memory_space<hbm>>
    tpu.enqueue_indirect_dma source(%dma_start3A_177 : memref<100000x128xf32, #tpu.memory_space<hbm>>) target(%dma_start3A_171 : memref<128x128xf32, #tpu.memory_space<vmem>>) offsets(%dma_start3A_174 : memref<128xi32, #tpu.memory_space<vmem>>) semaphore(%arg12 : memref<!tpu.dma_semaphore, #tpu.memory_space<semaphore_mem>>) {add = true}
    %add3A_178 = arith.constant 0 : i32
    %add3A_179 = arith.addi %mul3A_2, %add3A_178 : i32
    %dma_start3A_180 = arith.constant 2 : i32
    %dma_start3A_181 = arith.constant 0 : i32
    %dma_start3A_182 = arith.constant 0 : i32
    %dma_start3A_183 = tpu.memref_slice %arg8[%dma_start3A_180, %dma_start3A_181, %dma_start3A_182] : memref<5x128x128xf32, #tpu.memory_space<vmem>> -> memref<1x128x128xf32, #tpu.memory_space<vmem>>
    %dma_start3A_184 = tpu.memref_squeeze %dma_start3A_183 : memref<1x128x128xf32, #tpu.memory_space<vmem>> -> memref<128x128xf32, #tpu.memory_space<vmem>>
    %dma_start3A_185 = arith.constant 0 : i32
    %dma_start3A_186 = arith.constant 0 : i32
    %dma_start3A_187 = tpu.memref_slice %arg7[%arg1, %dma_start3A_185, %dma_start3A_186] : memref<16x256x128xf32, #tpu.memory_space<vmem_shared>> -> memref<1x128x128xf32, #tpu.memory_space<vmem_shared>>
    %dma_start3A_188 = tpu.memref_squeeze %dma_start3A_187 : memref<1x128x128xf32, #tpu.memory_space<vmem_shared>> -> memref<128x128xf32, #tpu.memory_space<vmem_shared>>
    %dma_start3A_189 = arith.constant 0 : i32
    %dma_start3A_190 = arith.constant 0 : i32
    %dma_start3A_191 = tpu.memref_slice %arg8[%dma_start3A_180, %dma_start3A_189, %dma_start3A_190] : memref<5x128x128xf32, #tpu.memory_space<vmem>> -> memref<1x128x128xf32, #tpu.memory_space<vmem>>
    %dma_start3A_192 = tpu.memref_squeeze %dma_start3A_191 : memref<1x128x128xf32, #tpu.memory_space<vmem>> -> memref<128x128xf32, #tpu.memory_space<vmem>>
    %dma_start3A_193 = arith.constant 0 : i32
    %dma_start3A_194 = arith.constant 0 : i32
    %dma_start3A_195 = tpu.memref_slice %arg7[%arg1, %dma_start3A_193, %dma_start3A_194] : memref<16x256x128xf32, #tpu.memory_space<vmem_shared>> -> memref<1x128x128xf32, #tpu.memory_space<vmem_shared>>
    %dma_start3A_196 = tpu.memref_squeeze %dma_start3A_195 : memref<1x128x128xf32, #tpu.memory_space<vmem_shared>> -> memref<128x128xf32, #tpu.memory_space<vmem_shared>>
    tpu.enqueue_dma source(%dma_start3A_196 : memref<128x128xf32, #tpu.memory_space<vmem_shared>>) target(%dma_start3A_192 : memref<128x128xf32, #tpu.memory_space<vmem>>) target_semaphore(%arg11 : memref<!tpu.dma_semaphore, #tpu.memory_space<semaphore_mem>>)
    %add3A_197 = arith.constant 128 : i32
    %add3A_198 = arith.addi %mul3A_2, %add3A_197 : i32
    %dma_wait3A_199 = arith.constant 1 : i32
    %dma_wait3A_200 = arith.constant 0 : i32
    %dma_wait3A_201 = arith.constant 0 : i32
    %dma_wait3A_202 = tpu.memref_slice %arg8[%dma_wait3A_199, %dma_wait3A_200, %dma_wait3A_201] : memref<5x128x128xf32, #tpu.memory_space<vmem>> -> memref<1x128x128xf32, #tpu.memory_space<vmem>>
    %dma_wait3A_203 = tpu.memref_squeeze %dma_wait3A_202 : memref<1x128x128xf32, #tpu.memory_space<vmem>> -> memref<128x128xf32, #tpu.memory_space<vmem>>
    %dma_wait3A_204 = arith.constant 128 : i32
    %dma_wait3A_205 = arith.constant 0 : i32
    %dma_wait3A_206 = tpu.memref_slice %arg7[%arg1, %dma_wait3A_204, %dma_wait3A_205] : memref<16x256x128xf32, #tpu.memory_space<vmem_shared>> -> memref<1x128x128xf32, #tpu.memory_space<vmem_shared>>
    %dma_wait3A_207 = tpu.memref_squeeze %dma_wait3A_206 : memref<1x128x128xf32, #tpu.memory_space<vmem_shared>> -> memref<128x128xf32, #tpu.memory_space<vmem_shared>>
    %dma_wait3A_208 = arith.constant 0 : i32
    %dma_wait3A_209 = arith.constant 0 : i32
    %dma_wait3A_210 = tpu.memref_slice %arg8[%dma_wait3A_199, %dma_wait3A_208, %dma_wait3A_209] : memref<5x128x128xf32, #tpu.memory_space<vmem>> -> memref<1x128x128xf32, #tpu.memory_space<vmem>>
    %dma_wait3A_211 = tpu.memref_squeeze %dma_wait3A_210 : memref<1x128x128xf32, #tpu.memory_space<vmem>> -> memref<128x128xf32, #tpu.memory_space<vmem>>
    %dma_wait3A_212 = arith.constant 128 : i32
    %dma_wait3A_213 = arith.constant 0 : i32
    %dma_wait3A_214 = tpu.memref_slice %arg7[%arg1, %dma_wait3A_212, %dma_wait3A_213] : memref<16x256x128xf32, #tpu.memory_space<vmem_shared>> -> memref<1x128x128xf32, #tpu.memory_space<vmem_shared>>
    %dma_wait3A_215 = tpu.memref_squeeze %dma_wait3A_214 : memref<1x128x128xf32, #tpu.memory_space<vmem_shared>> -> memref<128x128xf32, #tpu.memory_space<vmem_shared>>
    tpu.wait_dma2 semaphore(%arg11 : memref<!tpu.dma_semaphore, #tpu.memory_space<semaphore_mem>>) src(%dma_wait3A_215 : memref<128x128xf32, #tpu.memory_space<vmem_shared>>) dst(%dma_wait3A_211 : memref<128x128xf32, #tpu.memory_space<vmem>>)
    %dma_start3A_216 = arith.constant 0 : i32
    %dma_start3A_217 = arith.constant 1 : i32
    %dma_start3A_218 = arith.constant 0 : i32
    %dma_start3A_219 = arith.constant 0 : i32
    %dma_start3A_220 = tpu.memref_slice %arg8[%dma_start3A_217, %dma_start3A_218, %dma_start3A_219] : memref<5x128x128xf32, #tpu.memory_space<vmem>> -> memref<1x128x128xf32, #tpu.memory_space<vmem>>
    %dma_start3A_221 = tpu.memref_squeeze %dma_start3A_220 : memref<1x128x128xf32, #tpu.memory_space<vmem>> -> memref<128x128xf32, #tpu.memory_space<vmem>>
    %dma_start3A_222 = arith.constant 128 : i32
    %dma_start3A_223 = tpu.memref_slice %arg6[%dma_start3A_216, %dma_start3A_222] : memref<4x256xi32, #tpu.memory_space<vmem>> -> memref<1x128xi32, #tpu.memory_space<vmem>>
    %dma_start3A_224 = tpu.memref_squeeze %dma_start3A_223 : memref<1x128xi32, #tpu.memory_space<vmem>> -> memref<128xi32, #tpu.memory_space<vmem>>
    %dma_start3A_225 = arith.constant 0 : i32
    %dma_start3A_226 = arith.constant 0 : i32
    %dma_start3A_227 = tpu.memref_slice %arg3[%dma_start3A_225, %dma_start3A_226] : memref<100000x128xf32, #tpu.memory_space<hbm>> -> memref<100000x128xf32, #tpu.memory_space<hbm>>
    tpu.enqueue_indirect_dma source(%dma_start3A_227 : memref<100000x128xf32, #tpu.memory_space<hbm>>) target(%dma_start3A_221 : memref<128x128xf32, #tpu.memory_space<vmem>>) offsets(%dma_start3A_224 : memref<128xi32, #tpu.memory_space<vmem>>) semaphore(%arg13 : memref<!tpu.dma_semaphore, #tpu.memory_space<semaphore_mem>>) {add = true}
    %add3A_228 = arith.constant 128 : i32
    %add3A_229 = arith.addi %mul3A_2, %add3A_228 : i32
    %dma_start3A_230 = arith.constant 3 : i32
    %dma_start3A_231 = arith.constant 0 : i32
    %dma_start3A_232 = arith.constant 0 : i32
    %dma_start3A_233 = tpu.memref_slice %arg8[%dma_start3A_230, %dma_start3A_231, %dma_start3A_232] : memref<5x128x128xf32, #tpu.memory_space<vmem>> -> memref<1x128x128xf32, #tpu.memory_space<vmem>>
    %dma_start3A_234 = tpu.memref_squeeze %dma_start3A_233 : memref<1x128x128xf32, #tpu.memory_space<vmem>> -> memref<128x128xf32, #tpu.memory_space<vmem>>
    %dma_start3A_235 = arith.constant 128 : i32
    %dma_start3A_236 = arith.constant 0 : i32
    %dma_start3A_237 = tpu.memref_slice %arg7[%arg1, %dma_start3A_235, %dma_start3A_236] : memref<16x256x128xf32, #tpu.memory_space<vmem_shared>> -> memref<1x128x128xf32, #tpu.memory_space<vmem_shared>>
    %dma_start3A_238 = tpu.memref_squeeze %dma_start3A_237 : memref<1x128x128xf32, #tpu.memory_space<vmem_shared>> -> memref<128x128xf32, #tpu.memory_space<vmem_shared>>
    %dma_start3A_239 = arith.constant 0 : i32
    %dma_start3A_240 = arith.constant 0 : i32
    %dma_start3A_241 = tpu.memref_slice %arg8[%dma_start3A_230, %dma_start3A_239, %dma_start3A_240] : memref<5x128x128xf32, #tpu.memory_space<vmem>> -> memref<1x128x128xf32, #tpu.memory_space<vmem>>
    %dma_start3A_242 = tpu.memref_squeeze %dma_start3A_241 : memref<1x128x128xf32, #tpu.memory_space<vmem>> -> memref<128x128xf32, #tpu.memory_space<vmem>>
    %dma_start3A_243 = arith.constant 128 : i32
    %dma_start3A_244 = arith.constant 0 : i32
    %dma_start3A_245 = tpu.memref_slice %arg7[%arg1, %dma_start3A_243, %dma_start3A_244] : memref<16x256x128xf32, #tpu.memory_space<vmem_shared>> -> memref<1x128x128xf32, #tpu.memory_space<vmem_shared>>
    %dma_start3A_246 = tpu.memref_squeeze %dma_start3A_245 : memref<1x128x128xf32, #tpu.memory_space<vmem_shared>> -> memref<128x128xf32, #tpu.memory_space<vmem_shared>>
    tpu.enqueue_dma source(%dma_start3A_246 : memref<128x128xf32, #tpu.memory_space<vmem_shared>>) target(%dma_start3A_242 : memref<128x128xf32, #tpu.memory_space<vmem>>) target_semaphore(%arg11 : memref<!tpu.dma_semaphore, #tpu.memory_space<semaphore_mem>>)
    %add3A_247 = arith.constant 0 : i32
    %add3A_248 = arith.addi %mul3A_2, %add3A_247 : i32
    %dma_wait3A_249 = arith.constant 2 : i32
    %dma_wait3A_250 = arith.constant 0 : i32
    %dma_wait3A_251 = arith.constant 0 : i32
    %dma_wait3A_252 = tpu.memref_slice %arg8[%dma_wait3A_249, %dma_wait3A_250, %dma_wait3A_251] : memref<5x128x128xf32, #tpu.memory_space<vmem>> -> memref<1x128x128xf32, #tpu.memory_space<vmem>>
    %dma_wait3A_253 = tpu.memref_squeeze %dma_wait3A_252 : memref<1x128x128xf32, #tpu.memory_space<vmem>> -> memref<128x128xf32, #tpu.memory_space<vmem>>
    %dma_wait3A_254 = arith.constant 0 : i32
    %dma_wait3A_255 = arith.constant 0 : i32
    %dma_wait3A_256 = tpu.memref_slice %arg7[%arg1, %dma_wait3A_254, %dma_wait3A_255] : memref<16x256x128xf32, #tpu.memory_space<vmem_shared>> -> memref<1x128x128xf32, #tpu.memory_space<vmem_shared>>
    %dma_wait3A_257 = tpu.memref_squeeze %dma_wait3A_256 : memref<1x128x128xf32, #tpu.memory_space<vmem_shared>> -> memref<128x128xf32, #tpu.memory_space<vmem_shared>>
    %dma_wait3A_258 = arith.constant 0 : i32
    %dma_wait3A_259 = arith.constant 0 : i32
    %dma_wait3A_260 = tpu.memref_slice %arg8[%dma_wait3A_249, %dma_wait3A_258, %dma_wait3A_259] : memref<5x128x128xf32, #tpu.memory_space<vmem>> -> memref<1x128x128xf32, #tpu.memory_space<vmem>>
    %dma_wait3A_261 = tpu.memref_squeeze %dma_wait3A_260 : memref<1x128x128xf32, #tpu.memory_space<vmem>> -> memref<128x128xf32, #tpu.memory_space<vmem>>
    %dma_wait3A_262 = arith.constant 0 : i32
    %dma_wait3A_263 = arith.constant 0 : i32
    %dma_wait3A_264 = tpu.memref_slice %arg7[%arg1, %dma_wait3A_262, %dma_wait3A_263] : memref<16x256x128xf32, #tpu.memory_space<vmem_shared>> -> memref<1x128x128xf32, #tpu.memory_space<vmem_shared>>
    %dma_wait3A_265 = tpu.memref_squeeze %dma_wait3A_264 : memref<1x128x128xf32, #tpu.memory_space<vmem_shared>> -> memref<128x128xf32, #tpu.memory_space<vmem_shared>>
    tpu.wait_dma2 semaphore(%arg11 : memref<!tpu.dma_semaphore, #tpu.memory_space<semaphore_mem>>) src(%dma_wait3A_265 : memref<128x128xf32, #tpu.memory_space<vmem_shared>>) dst(%dma_wait3A_261 : memref<128x128xf32, #tpu.memory_space<vmem>>)
    %dma_start3A_266 = arith.constant 1 : i32
    %dma_start3A_267 = arith.constant 2 : i32
    %dma_start3A_268 = arith.constant 0 : i32
    %dma_start3A_269 = arith.constant 0 : i32
    %dma_start3A_270 = tpu.memref_slice %arg8[%dma_start3A_267, %dma_start3A_268, %dma_start3A_269] : memref<5x128x128xf32, #tpu.memory_space<vmem>> -> memref<1x128x128xf32, #tpu.memory_space<vmem>>
    %dma_start3A_271 = tpu.memref_squeeze %dma_start3A_270 : memref<1x128x128xf32, #tpu.memory_space<vmem>> -> memref<128x128xf32, #tpu.memory_space<vmem>>
    %dma_start3A_272 = arith.constant 0 : i32
    %dma_start3A_273 = tpu.memref_slice %arg6[%dma_start3A_266, %dma_start3A_272] : memref<4x256xi32, #tpu.memory_space<vmem>> -> memref<1x128xi32, #tpu.memory_space<vmem>>
    %dma_start3A_274 = tpu.memref_squeeze %dma_start3A_273 : memref<1x128xi32, #tpu.memory_space<vmem>> -> memref<128xi32, #tpu.memory_space<vmem>>
    %dma_start3A_275 = arith.constant 0 : i32
    %dma_start3A_276 = arith.constant 0 : i32
    %dma_start3A_277 = tpu.memref_slice %arg3[%dma_start3A_275, %dma_start3A_276] : memref<100000x128xf32, #tpu.memory_space<hbm>> -> memref<100000x128xf32, #tpu.memory_space<hbm>>
    tpu.enqueue_indirect_dma source(%dma_start3A_277 : memref<100000x128xf32, #tpu.memory_space<hbm>>) target(%dma_start3A_271 : memref<128x128xf32, #tpu.memory_space<vmem>>) offsets(%dma_start3A_274 : memref<128xi32, #tpu.memory_space<vmem>>) semaphore(%arg14 : memref<!tpu.dma_semaphore, #tpu.memory_space<semaphore_mem>>) {add = true}
    %add3A_278 = arith.constant 0 : i32
    %add3A_279 = arith.addi %mul3A_2, %add3A_278 : i32
    %dma_start3A_280 = arith.constant 4 : i32
    %dma_start3A_281 = arith.constant 0 : i32
    %dma_start3A_282 = arith.constant 0 : i32
    %dma_start3A_283 = tpu.memref_slice %arg8[%dma_start3A_280, %dma_start3A_281, %dma_start3A_282] : memref<5x128x128xf32, #tpu.memory_space<vmem>> -> memref<1x128x128xf32, #tpu.memory_space<vmem>>
    %dma_start3A_284 = tpu.memref_squeeze %dma_start3A_283 : memref<1x128x128xf32, #tpu.memory_space<vmem>> -> memref<128x128xf32, #tpu.memory_space<vmem>>
    %dma_start3A_285 = arith.constant 0 : i32
    %dma_start3A_286 = arith.constant 0 : i32
    %dma_start3A_287 = tpu.memref_slice %arg7[%arg1, %dma_start3A_285, %dma_start3A_286] : memref<16x256x128xf32, #tpu.memory_space<vmem_shared>> -> memref<1x128x128xf32, #tpu.memory_space<vmem_shared>>
    %dma_start3A_288 = tpu.memref_squeeze %dma_start3A_287 : memref<1x128x128xf32, #tpu.memory_space<vmem_shared>> -> memref<128x128xf32, #tpu.memory_space<vmem_shared>>
    %dma_start3A_289 = arith.constant 0 : i32
    %dma_start3A_290 = arith.constant 0 : i32
    %dma_start3A_291 = tpu.memref_slice %arg8[%dma_start3A_280, %dma_start3A_289, %dma_start3A_290] : memref<5x128x128xf32, #tpu.memory_space<vmem>> -> memref<1x128x128xf32, #tpu.memory_space<vmem>>
    %dma_start3A_292 = tpu.memref_squeeze %dma_start3A_291 : memref<1x128x128xf32, #tpu.memory_space<vmem>> -> memref<128x128xf32, #tpu.memory_space<vmem>>
    %dma_start3A_293 = arith.constant 0 : i32
    %dma_start3A_294 = arith.constant 0 : i32
    %dma_start3A_295 = tpu.memref_slice %arg7[%arg1, %dma_start3A_293, %dma_start3A_294] : memref<16x256x128xf32, #tpu.memory_space<vmem_shared>> -> memref<1x128x128xf32, #tpu.memory_space<vmem_shared>>
    %dma_start3A_296 = tpu.memref_squeeze %dma_start3A_295 : memref<1x128x128xf32, #tpu.memory_space<vmem_shared>> -> memref<128x128xf32, #tpu.memory_space<vmem_shared>>
    tpu.enqueue_dma source(%dma_start3A_296 : memref<128x128xf32, #tpu.memory_space<vmem_shared>>) target(%dma_start3A_292 : memref<128x128xf32, #tpu.memory_space<vmem>>) target_semaphore(%arg11 : memref<!tpu.dma_semaphore, #tpu.memory_space<semaphore_mem>>)
    %dma_wait3A_297 = arith.constant 0 : i32
    %dma_wait3A_298 = arith.constant 0 : i32
    %dma_wait3A_299 = arith.constant 0 : i32
    %dma_wait3A_300 = arith.constant 0 : i32
    %dma_wait3A_301 = tpu.memref_slice %arg8[%dma_wait3A_298, %dma_wait3A_299, %dma_wait3A_300] : memref<5x128x128xf32, #tpu.memory_space<vmem>> -> memref<1x128x128xf32, #tpu.memory_space<vmem>>
    %dma_wait3A_302 = tpu.memref_squeeze %dma_wait3A_301 : memref<1x128x128xf32, #tpu.memory_space<vmem>> -> memref<128x128xf32, #tpu.memory_space<vmem>>
    %dma_wait3A_303 = arith.constant 0 : i32
    %dma_wait3A_304 = tpu.memref_slice %arg6[%dma_wait3A_297, %dma_wait3A_303] : memref<4x256xi32, #tpu.memory_space<vmem>> -> memref<1x128xi32, #tpu.memory_space<vmem>>
    %dma_wait3A_305 = tpu.memref_squeeze %dma_wait3A_304 : memref<1x128xi32, #tpu.memory_space<vmem>> -> memref<128xi32, #tpu.memory_space<vmem>>
    %dma_wait3A_306 = arith.constant 0 : i32
    %dma_wait3A_307 = arith.constant 0 : i32
    %dma_wait3A_308 = tpu.memref_slice %arg3[%dma_wait3A_306, %dma_wait3A_307] : memref<100000x128xf32, #tpu.memory_space<hbm>> -> memref<100000x128xf32, #tpu.memory_space<hbm>>
    tpu.wait_indirect_dma semaphore(%arg12 : memref<!tpu.dma_semaphore, #tpu.memory_space<semaphore_mem>>) src(%dma_wait3A_308 : memref<100000x128xf32, #tpu.memory_space<hbm>>) dst(%dma_wait3A_302 : memref<128x128xf32, #tpu.memory_space<vmem>>)
    %add3A_309 = arith.constant 0 : i32
    %add3A_310 = arith.addi %mul3A_2, %add3A_309 : i32
    %dma_start3A_311 = arith.constant 0 : i32
    %dma_start3A_312 = arith.constant 0 : i32
    %dma_start3A_313 = arith.constant 0 : i32
    %dma_start3A_314 = arith.constant 0 : i32
    %dma_start3A_315 = tpu.memref_slice %arg8[%dma_start3A_311, %dma_start3A_313, %dma_start3A_314] : memref<5x128x128xf32, #tpu.memory_space<vmem>> -> memref<1x128x128xf32, #tpu.memory_space<vmem>>
    %dma_start3A_316 = tpu.memref_squeeze %dma_start3A_315 : memref<1x128x128xf32, #tpu.memory_space<vmem>> -> memref<128x128xf32, #tpu.memory_space<vmem>>
    %dma_start3A_317 = arith.constant 0 : i32
    %dma_start3A_318 = tpu.memref_slice %arg5[%dma_start3A_312, %add3A_310, %dma_start3A_317] : memref<4x8192x128xf32, #tpu.memory_space<hbm>> -> memref<1x128x128xf32, #tpu.memory_space<hbm>>
    %dma_start3A_319 = tpu.memref_squeeze %dma_start3A_318 : memref<1x128x128xf32, #tpu.memory_space<hbm>> -> memref<128x128xf32, #tpu.memory_space<hbm>>
    %dma_start3A_320 = arith.constant 0 : i32
    %dma_start3A_321 = tpu.memref_slice %arg5[%dma_start3A_312, %add3A_310, %dma_start3A_320] : memref<4x8192x128xf32, #tpu.memory_space<hbm>> -> memref<1x128x128xf32, #tpu.memory_space<hbm>>
    %dma_start3A_322 = tpu.memref_squeeze %dma_start3A_321 : memref<1x128x128xf32, #tpu.memory_space<hbm>> -> memref<128x128xf32, #tpu.memory_space<hbm>>
    %dma_start3A_323 = arith.constant 0 : i32
    %dma_start3A_324 = arith.constant 0 : i32
    %dma_start3A_325 = tpu.memref_slice %arg8[%dma_start3A_311, %dma_start3A_323, %dma_start3A_324] : memref<5x128x128xf32, #tpu.memory_space<vmem>> -> memref<1x128x128xf32, #tpu.memory_space<vmem>>
    %dma_start3A_326 = tpu.memref_squeeze %dma_start3A_325 : memref<1x128x128xf32, #tpu.memory_space<vmem>> -> memref<128x128xf32, #tpu.memory_space<vmem>>
    tpu.enqueue_dma source(%dma_start3A_326 : memref<128x128xf32, #tpu.memory_space<vmem>>) target(%dma_start3A_322 : memref<128x128xf32, #tpu.memory_space<hbm>>) target_semaphore(%arg17 : memref<!tpu.dma_semaphore, #tpu.memory_space<semaphore_mem>>)
    %add3A_327 = arith.constant 128 : i32
    %add3A_328 = arith.addi %mul3A_2, %add3A_327 : i32
    %dma_wait3A_329 = arith.constant 3 : i32
    %dma_wait3A_330 = arith.constant 0 : i32
    %dma_wait3A_331 = arith.constant 0 : i32
    %dma_wait3A_332 = tpu.memref_slice %arg8[%dma_wait3A_329, %dma_wait3A_330, %dma_wait3A_331] : memref<5x128x128xf32, #tpu.memory_space<vmem>> -> memref<1x128x128xf32, #tpu.memory_space<vmem>>
    %dma_wait3A_333 = tpu.memref_squeeze %dma_wait3A_332 : memref<1x128x128xf32, #tpu.memory_space<vmem>> -> memref<128x128xf32, #tpu.memory_space<vmem>>
    %dma_wait3A_334 = arith.constant 128 : i32
    %dma_wait3A_335 = arith.constant 0 : i32
    %dma_wait3A_336 = tpu.memref_slice %arg7[%arg1, %dma_wait3A_334, %dma_wait3A_335] : memref<16x256x128xf32, #tpu.memory_space<vmem_shared>> -> memref<1x128x128xf32, #tpu.memory_space<vmem_shared>>
    %dma_wait3A_337 = tpu.memref_squeeze %dma_wait3A_336 : memref<1x128x128xf32, #tpu.memory_space<vmem_shared>> -> memref<128x128xf32, #tpu.memory_space<vmem_shared>>
    %dma_wait3A_338 = arith.constant 0 : i32
    %dma_wait3A_339 = arith.constant 0 : i32
    %dma_wait3A_340 = tpu.memref_slice %arg8[%dma_wait3A_329, %dma_wait3A_338, %dma_wait3A_339] : memref<5x128x128xf32, #tpu.memory_space<vmem>> -> memref<1x128x128xf32, #tpu.memory_space<vmem>>
    %dma_wait3A_341 = tpu.memref_squeeze %dma_wait3A_340 : memref<1x128x128xf32, #tpu.memory_space<vmem>> -> memref<128x128xf32, #tpu.memory_space<vmem>>
    %dma_wait3A_342 = arith.constant 128 : i32
    %dma_wait3A_343 = arith.constant 0 : i32
    %dma_wait3A_344 = tpu.memref_slice %arg7[%arg1, %dma_wait3A_342, %dma_wait3A_343] : memref<16x256x128xf32, #tpu.memory_space<vmem_shared>> -> memref<1x128x128xf32, #tpu.memory_space<vmem_shared>>
    %dma_wait3A_345 = tpu.memref_squeeze %dma_wait3A_344 : memref<1x128x128xf32, #tpu.memory_space<vmem_shared>> -> memref<128x128xf32, #tpu.memory_space<vmem_shared>>
    tpu.wait_dma2 semaphore(%arg11 : memref<!tpu.dma_semaphore, #tpu.memory_space<semaphore_mem>>) src(%dma_wait3A_345 : memref<128x128xf32, #tpu.memory_space<vmem_shared>>) dst(%dma_wait3A_341 : memref<128x128xf32, #tpu.memory_space<vmem>>)
    %dma_start3A_346 = arith.constant 1 : i32
    %dma_start3A_347 = arith.constant 3 : i32
    %dma_start3A_348 = arith.constant 0 : i32
    %dma_start3A_349 = arith.constant 0 : i32
    %dma_start3A_350 = tpu.memref_slice %arg8[%dma_start3A_347, %dma_start3A_348, %dma_start3A_349] : memref<5x128x128xf32, #tpu.memory_space<vmem>> -> memref<1x128x128xf32, #tpu.memory_space<vmem>>
    %dma_start3A_351 = tpu.memref_squeeze %dma_start3A_350 : memref<1x128x128xf32, #tpu.memory_space<vmem>> -> memref<128x128xf32, #tpu.memory_space<vmem>>
    %dma_start3A_352 = arith.constant 128 : i32
    %dma_start3A_353 = tpu.memref_slice %arg6[%dma_start3A_346, %dma_start3A_352] : memref<4x256xi32, #tpu.memory_space<vmem>> -> memref<1x128xi32, #tpu.memory_space<vmem>>
    %dma_start3A_354 = tpu.memref_squeeze %dma_start3A_353 : memref<1x128xi32, #tpu.memory_space<vmem>> -> memref<128xi32, #tpu.memory_space<vmem>>
    %dma_start3A_355 = arith.constant 0 : i32
    %dma_start3A_356 = arith.constant 0 : i32
    %dma_start3A_357 = tpu.memref_slice %arg3[%dma_start3A_355, %dma_start3A_356] : memref<100000x128xf32, #tpu.memory_space<hbm>> -> memref<100000x128xf32, #tpu.memory_space<hbm>>
    tpu.enqueue_indirect_dma source(%dma_start3A_357 : memref<100000x128xf32, #tpu.memory_space<hbm>>) target(%dma_start3A_351 : memref<128x128xf32, #tpu.memory_space<vmem>>) offsets(%dma_start3A_354 : memref<128xi32, #tpu.memory_space<vmem>>) semaphore(%arg15 : memref<!tpu.dma_semaphore, #tpu.memory_space<semaphore_mem>>) {add = true}
    %dma_wait3A_358 = arith.constant 0 : i32
    %dma_wait3A_359 = arith.constant 0 : i32
    %dma_wait3A_360 = arith.constant 0 : i32
    %dma_wait3A_361 = arith.constant 0 : i32
    %dma_wait3A_362 = tpu.memref_slice %arg8[%dma_wait3A_358, %dma_wait3A_360, %dma_wait3A_361] : memref<5x128x128xf32, #tpu.memory_space<vmem>> -> memref<1x128x128xf32, #tpu.memory_space<vmem>>
    %dma_wait3A_363 = tpu.memref_squeeze %dma_wait3A_362 : memref<1x128x128xf32, #tpu.memory_space<vmem>> -> memref<128x128xf32, #tpu.memory_space<vmem>>
    %dma_wait3A_364 = arith.constant 0 : i32
    %dma_wait3A_365 = tpu.memref_slice %arg5[%dma_wait3A_359, %add3A_310, %dma_wait3A_364] : memref<4x8192x128xf32, #tpu.memory_space<hbm>> -> memref<1x128x128xf32, #tpu.memory_space<hbm>>
    %dma_wait3A_366 = tpu.memref_squeeze %dma_wait3A_365 : memref<1x128x128xf32, #tpu.memory_space<hbm>> -> memref<128x128xf32, #tpu.memory_space<hbm>>
    %dma_wait3A_367 = arith.constant 0 : i32
    %dma_wait3A_368 = tpu.memref_slice %arg5[%dma_wait3A_359, %add3A_310, %dma_wait3A_367] : memref<4x8192x128xf32, #tpu.memory_space<hbm>> -> memref<1x128x128xf32, #tpu.memory_space<hbm>>
    %dma_wait3A_369 = tpu.memref_squeeze %dma_wait3A_368 : memref<1x128x128xf32, #tpu.memory_space<hbm>> -> memref<128x128xf32, #tpu.memory_space<hbm>>
    %dma_wait3A_370 = arith.constant 0 : i32
    %dma_wait3A_371 = arith.constant 0 : i32
    %dma_wait3A_372 = tpu.memref_slice %arg8[%dma_wait3A_358, %dma_wait3A_370, %dma_wait3A_371] : memref<5x128x128xf32, #tpu.memory_space<vmem>> -> memref<1x128x128xf32, #tpu.memory_space<vmem>>
    %dma_wait3A_373 = tpu.memref_squeeze %dma_wait3A_372 : memref<1x128x128xf32, #tpu.memory_space<vmem>> -> memref<128x128xf32, #tpu.memory_space<vmem>>
    tpu.wait_dma2 semaphore(%arg17 : memref<!tpu.dma_semaphore, #tpu.memory_space<semaphore_mem>>) src(%dma_wait3A_373 : memref<128x128xf32, #tpu.memory_space<vmem>>) dst(%dma_wait3A_369 : memref<128x128xf32, #tpu.memory_space<hbm>>)
    %add3A_374 = arith.constant 128 : i32
    %add3A_375 = arith.addi %mul3A_2, %add3A_374 : i32
    %dma_start3A_376 = arith.constant 0 : i32
    %dma_start3A_377 = arith.constant 0 : i32
    %dma_start3A_378 = arith.constant 0 : i32
    %dma_start3A_379 = tpu.memref_slice %arg8[%dma_start3A_376, %dma_start3A_377, %dma_start3A_378] : memref<5x128x128xf32, #tpu.memory_space<vmem>> -> memref<1x128x128xf32, #tpu.memory_space<vmem>>
    %dma_start3A_380 = tpu.memref_squeeze %dma_start3A_379 : memref<1x128x128xf32, #tpu.memory_space<vmem>> -> memref<128x128xf32, #tpu.memory_space<vmem>>
    %dma_start3A_381 = arith.constant 128 : i32
    %dma_start3A_382 = arith.constant 0 : i32
    %dma_start3A_383 = tpu.memref_slice %arg7[%arg1, %dma_start3A_381, %dma_start3A_382] : memref<16x256x128xf32, #tpu.memory_space<vmem_shared>> -> memref<1x128x128xf32, #tpu.memory_space<vmem_shared>>
    %dma_start3A_384 = tpu.memref_squeeze %dma_start3A_383 : memref<1x128x128xf32, #tpu.memory_space<vmem_shared>> -> memref<128x128xf32, #tpu.memory_space<vmem_shared>>
    %dma_start3A_385 = arith.constant 0 : i32
    %dma_start3A_386 = arith.constant 0 : i32
    %dma_start3A_387 = tpu.memref_slice %arg8[%dma_start3A_376, %dma_start3A_385, %dma_start3A_386] : memref<5x128x128xf32, #tpu.memory_space<vmem>> -> memref<1x128x128xf32, #tpu.memory_space<vmem>>
    %dma_start3A_388 = tpu.memref_squeeze %dma_start3A_387 : memref<1x128x128xf32, #tpu.memory_space<vmem>> -> memref<128x128xf32, #tpu.memory_space<vmem>>
    %dma_start3A_389 = arith.constant 128 : i32
    %dma_start3A_390 = arith.constant 0 : i32
    %dma_start3A_391 = tpu.memref_slice %arg7[%arg1, %dma_start3A_389, %dma_start3A_390] : memref<16x256x128xf32, #tpu.memory_space<vmem_shared>> -> memref<1x128x128xf32, #tpu.memory_space<vmem_shared>>
    %dma_start3A_392 = tpu.memref_squeeze %dma_start3A_391 : memref<1x128x128xf32, #tpu.memory_space<vmem_shared>> -> memref<128x128xf32, #tpu.memory_space<vmem_shared>>
    tpu.enqueue_dma source(%dma_start3A_392 : memref<128x128xf32, #tpu.memory_space<vmem_shared>>) target(%dma_start3A_388 : memref<128x128xf32, #tpu.memory_space<vmem>>) target_semaphore(%arg11 : memref<!tpu.dma_semaphore, #tpu.memory_space<semaphore_mem>>)
    %dma_wait3A_393 = arith.constant 0 : i32
    %dma_wait3A_394 = arith.constant 1 : i32
    %dma_wait3A_395 = arith.constant 0 : i32
    %dma_wait3A_396 = arith.constant 0 : i32
    %dma_wait3A_397 = tpu.memref_slice %arg8[%dma_wait3A_394, %dma_wait3A_395, %dma_wait3A_396] : memref<5x128x128xf32, #tpu.memory_space<vmem>> -> memref<1x128x128xf32, #tpu.memory_space<vmem>>
    %dma_wait3A_398 = tpu.memref_squeeze %dma_wait3A_397 : memref<1x128x128xf32, #tpu.memory_space<vmem>> -> memref<128x128xf32, #tpu.memory_space<vmem>>
    %dma_wait3A_399 = arith.constant 128 : i32
    %dma_wait3A_400 = tpu.memref_slice %arg6[%dma_wait3A_393, %dma_wait3A_399] : memref<4x256xi32, #tpu.memory_space<vmem>> -> memref<1x128xi32, #tpu.memory_space<vmem>>
    %dma_wait3A_401 = tpu.memref_squeeze %dma_wait3A_400 : memref<1x128xi32, #tpu.memory_space<vmem>> -> memref<128xi32, #tpu.memory_space<vmem>>
    %dma_wait3A_402 = arith.constant 0 : i32
    %dma_wait3A_403 = arith.constant 0 : i32
    %dma_wait3A_404 = tpu.memref_slice %arg3[%dma_wait3A_402, %dma_wait3A_403] : memref<100000x128xf32, #tpu.memory_space<hbm>> -> memref<100000x128xf32, #tpu.memory_space<hbm>>
    tpu.wait_indirect_dma semaphore(%arg13 : memref<!tpu.dma_semaphore, #tpu.memory_space<semaphore_mem>>) src(%dma_wait3A_404 : memref<100000x128xf32, #tpu.memory_space<hbm>>) dst(%dma_wait3A_398 : memref<128x128xf32, #tpu.memory_space<vmem>>)
    %add3A_405 = arith.constant 128 : i32
    %add3A_406 = arith.addi %mul3A_2, %add3A_405 : i32
    %dma_start3A_407 = arith.constant 1 : i32
    %dma_start3A_408 = arith.constant 0 : i32
    %dma_start3A_409 = arith.constant 0 : i32
    %dma_start3A_410 = arith.constant 0 : i32
    %dma_start3A_411 = tpu.memref_slice %arg8[%dma_start3A_407, %dma_start3A_409, %dma_start3A_410] : memref<5x128x128xf32, #tpu.memory_space<vmem>> -> memref<1x128x128xf32, #tpu.memory_space<vmem>>
    %dma_start3A_412 = tpu.memref_squeeze %dma_start3A_411 : memref<1x128x128xf32, #tpu.memory_space<vmem>> -> memref<128x128xf32, #tpu.memory_space<vmem>>
    %dma_start3A_413 = arith.constant 0 : i32
    %dma_start3A_414 = tpu.memref_slice %arg5[%dma_start3A_408, %add3A_406, %dma_start3A_413] : memref<4x8192x128xf32, #tpu.memory_space<hbm>> -> memref<1x128x128xf32, #tpu.memory_space<hbm>>
    %dma_start3A_415 = tpu.memref_squeeze %dma_start3A_414 : memref<1x128x128xf32, #tpu.memory_space<hbm>> -> memref<128x128xf32, #tpu.memory_space<hbm>>
    %dma_start3A_416 = arith.constant 0 : i32
    %dma_start3A_417 = tpu.memref_slice %arg5[%dma_start3A_408, %add3A_406, %dma_start3A_416] : memref<4x8192x128xf32, #tpu.memory_space<hbm>> -> memref<1x128x128xf32, #tpu.memory_space<hbm>>
    %dma_start3A_418 = tpu.memref_squeeze %dma_start3A_417 : memref<1x128x128xf32, #tpu.memory_space<hbm>> -> memref<128x128xf32, #tpu.memory_space<hbm>>
    %dma_start3A_419 = arith.constant 0 : i32
    %dma_start3A_420 = arith.constant 0 : i32
    %dma_start3A_421 = tpu.memref_slice %arg8[%dma_start3A_407, %dma_start3A_419, %dma_start3A_420] : memref<5x128x128xf32, #tpu.memory_space<vmem>> -> memref<1x128x128xf32, #tpu.memory_space<vmem>>
    %dma_start3A_422 = tpu.memref_squeeze %dma_start3A_421 : memref<1x128x128xf32, #tpu.memory_space<vmem>> -> memref<128x128xf32, #tpu.memory_space<vmem>>
    tpu.enqueue_dma source(%dma_start3A_422 : memref<128x128xf32, #tpu.memory_space<vmem>>) target(%dma_start3A_418 : memref<128x128xf32, #tpu.memory_space<hbm>>) target_semaphore(%arg18 : memref<!tpu.dma_semaphore, #tpu.memory_space<semaphore_mem>>)
    %add3A_423 = arith.constant 0 : i32
    %add3A_424 = arith.addi %mul3A_2, %add3A_423 : i32
    %dma_wait3A_425 = arith.constant 4 : i32
    %dma_wait3A_426 = arith.constant 0 : i32
    %dma_wait3A_427 = arith.constant 0 : i32
    %dma_wait3A_428 = tpu.memref_slice %arg8[%dma_wait3A_425, %dma_wait3A_426, %dma_wait3A_427] : memref<5x128x128xf32, #tpu.memory_space<vmem>> -> memref<1x128x128xf32, #tpu.memory_space<vmem>>
    %dma_wait3A_429 = tpu.memref_squeeze %dma_wait3A_428 : memref<1x128x128xf32, #tpu.memory_space<vmem>> -> memref<128x128xf32, #tpu.memory_space<vmem>>
    %dma_wait3A_430 = arith.constant 0 : i32
    %dma_wait3A_431 = arith.constant 0 : i32
    %dma_wait3A_432 = tpu.memref_slice %arg7[%arg1, %dma_wait3A_430, %dma_wait3A_431] : memref<16x256x128xf32, #tpu.memory_space<vmem_shared>> -> memref<1x128x128xf32, #tpu.memory_space<vmem_shared>>
    %dma_wait3A_433 = tpu.memref_squeeze %dma_wait3A_432 : memref<1x128x128xf32, #tpu.memory_space<vmem_shared>> -> memref<128x128xf32, #tpu.memory_space<vmem_shared>>
    %dma_wait3A_434 = arith.constant 0 : i32
    %dma_wait3A_435 = arith.constant 0 : i32
    %dma_wait3A_436 = tpu.memref_slice %arg8[%dma_wait3A_425, %dma_wait3A_434, %dma_wait3A_435] : memref<5x128x128xf32, #tpu.memory_space<vmem>> -> memref<1x128x128xf32, #tpu.memory_space<vmem>>
    %dma_wait3A_437 = tpu.memref_squeeze %dma_wait3A_436 : memref<1x128x128xf32, #tpu.memory_space<vmem>> -> memref<128x128xf32, #tpu.memory_space<vmem>>
    %dma_wait3A_438 = arith.constant 0 : i32
    %dma_wait3A_439 = arith.constant 0 : i32
    %dma_wait3A_440 = tpu.memref_slice %arg7[%arg1, %dma_wait3A_438, %dma_wait3A_439] : memref<16x256x128xf32, #tpu.memory_space<vmem_shared>> -> memref<1x128x128xf32, #tpu.memory_space<vmem_shared>>
    %dma_wait3A_441 = tpu.memref_squeeze %dma_wait3A_440 : memref<1x128x128xf32, #tpu.memory_space<vmem_shared>> -> memref<128x128xf32, #tpu.memory_space<vmem_shared>>
    tpu.wait_dma2 semaphore(%arg11 : memref<!tpu.dma_semaphore, #tpu.memory_space<semaphore_mem>>) src(%dma_wait3A_441 : memref<128x128xf32, #tpu.memory_space<vmem_shared>>) dst(%dma_wait3A_437 : memref<128x128xf32, #tpu.memory_space<vmem>>)
    %dma_start3A_442 = arith.constant 2 : i32
    %dma_start3A_443 = arith.constant 4 : i32
    %dma_start3A_444 = arith.constant 0 : i32
    %dma_start3A_445 = arith.constant 0 : i32
    %dma_start3A_446 = tpu.memref_slice %arg8[%dma_start3A_443, %dma_start3A_444, %dma_start3A_445] : memref<5x128x128xf32, #tpu.memory_space<vmem>> -> memref<1x128x128xf32, #tpu.memory_space<vmem>>
    %dma_start3A_447 = tpu.memref_squeeze %dma_start3A_446 : memref<1x128x128xf32, #tpu.memory_space<vmem>> -> memref<128x128xf32, #tpu.memory_space<vmem>>
    %dma_start3A_448 = arith.constant 0 : i32
    %dma_start3A_449 = tpu.memref_slice %arg6[%dma_start3A_442, %dma_start3A_448] : memref<4x256xi32, #tpu.memory_space<vmem>> -> memref<1x128xi32, #tpu.memory_space<vmem>>
    %dma_start3A_450 = tpu.memref_squeeze %dma_start3A_449 : memref<1x128xi32, #tpu.memory_space<vmem>> -> memref<128xi32, #tpu.memory_space<vmem>>
    %dma_start3A_451 = arith.constant 0 : i32
    %dma_start3A_452 = arith.constant 0 : i32
    %dma_start3A_453 = tpu.memref_slice %arg3[%dma_start3A_451, %dma_start3A_452] : memref<100000x128xf32, #tpu.memory_space<hbm>> -> memref<100000x128xf32, #tpu.memory_space<hbm>>
    tpu.enqueue_indirect_dma source(%dma_start3A_453 : memref<100000x128xf32, #tpu.memory_space<hbm>>) target(%dma_start3A_447 : memref<128x128xf32, #tpu.memory_space<vmem>>) offsets(%dma_start3A_450 : memref<128xi32, #tpu.memory_space<vmem>>) semaphore(%arg16 : memref<!tpu.dma_semaphore, #tpu.memory_space<semaphore_mem>>) {add = true}
    %dma_wait3A_454 = arith.constant 1 : i32
    %dma_wait3A_455 = arith.constant 0 : i32
    %dma_wait3A_456 = arith.constant 0 : i32
    %dma_wait3A_457 = arith.constant 0 : i32
    %dma_wait3A_458 = tpu.memref_slice %arg8[%dma_wait3A_454, %dma_wait3A_456, %dma_wait3A_457] : memref<5x128x128xf32, #tpu.memory_space<vmem>> -> memref<1x128x128xf32, #tpu.memory_space<vmem>>
    %dma_wait3A_459 = tpu.memref_squeeze %dma_wait3A_458 : memref<1x128x128xf32, #tpu.memory_space<vmem>> -> memref<128x128xf32, #tpu.memory_space<vmem>>
    %dma_wait3A_460 = arith.constant 0 : i32
    %dma_wait3A_461 = tpu.memref_slice %arg5[%dma_wait3A_455, %add3A_406, %dma_wait3A_460] : memref<4x8192x128xf32, #tpu.memory_space<hbm>> -> memref<1x128x128xf32, #tpu.memory_space<hbm>>
    %dma_wait3A_462 = tpu.memref_squeeze %dma_wait3A_461 : memref<1x128x128xf32, #tpu.memory_space<hbm>> -> memref<128x128xf32, #tpu.memory_space<hbm>>
    %dma_wait3A_463 = arith.constant 0 : i32
    %dma_wait3A_464 = tpu.memref_slice %arg5[%dma_wait3A_455, %add3A_406, %dma_wait3A_463] : memref<4x8192x128xf32, #tpu.memory_space<hbm>> -> memref<1x128x128xf32, #tpu.memory_space<hbm>>
    %dma_wait3A_465 = tpu.memref_squeeze %dma_wait3A_464 : memref<1x128x128xf32, #tpu.memory_space<hbm>> -> memref<128x128xf32, #tpu.memory_space<hbm>>
    %dma_wait3A_466 = arith.constant 0 : i32
    %dma_wait3A_467 = arith.constant 0 : i32
    %dma_wait3A_468 = tpu.memref_slice %arg8[%dma_wait3A_454, %dma_wait3A_466, %dma_wait3A_467] : memref<5x128x128xf32, #tpu.memory_space<vmem>> -> memref<1x128x128xf32, #tpu.memory_space<vmem>>
    %dma_wait3A_469 = tpu.memref_squeeze %dma_wait3A_468 : memref<1x128x128xf32, #tpu.memory_space<vmem>> -> memref<128x128xf32, #tpu.memory_space<vmem>>
    tpu.wait_dma2 semaphore(%arg18 : memref<!tpu.dma_semaphore, #tpu.memory_space<semaphore_mem>>) src(%dma_wait3A_469 : memref<128x128xf32, #tpu.memory_space<vmem>>) dst(%dma_wait3A_465 : memref<128x128xf32, #tpu.memory_space<hbm>>)
    %add3A_470 = arith.constant 0 : i32
    %add3A_471 = arith.addi %mul3A_2, %add3A_470 : i32
    %dma_start3A_472 = arith.constant 1 : i32
    %dma_start3A_473 = arith.constant 0 : i32
    %dma_start3A_474 = arith.constant 0 : i32
    %dma_start3A_475 = tpu.memref_slice %arg8[%dma_start3A_472, %dma_start3A_473, %dma_start3A_474] : memref<5x128x128xf32, #tpu.memory_space<vmem>> -> memref<1x128x128xf32, #tpu.memory_space<vmem>>
    %dma_start3A_476 = tpu.memref_squeeze %dma_start3A_475 : memref<1x128x128xf32, #tpu.memory_space<vmem>> -> memref<128x128xf32, #tpu.memory_space<vmem>>
    %dma_start3A_477 = arith.constant 0 : i32
    %dma_start3A_478 = arith.constant 0 : i32
    %dma_start3A_479 = tpu.memref_slice %arg7[%arg1, %dma_start3A_477, %dma_start3A_478] : memref<16x256x128xf32, #tpu.memory_space<vmem_shared>> -> memref<1x128x128xf32, #tpu.memory_space<vmem_shared>>
    %dma_start3A_480 = tpu.memref_squeeze %dma_start3A_479 : memref<1x128x128xf32, #tpu.memory_space<vmem_shared>> -> memref<128x128xf32, #tpu.memory_space<vmem_shared>>
    %dma_start3A_481 = arith.constant 0 : i32
    %dma_start3A_482 = arith.constant 0 : i32
    %dma_start3A_483 = tpu.memref_slice %arg8[%dma_start3A_472, %dma_start3A_481, %dma_start3A_482] : memref<5x128x128xf32, #tpu.memory_space<vmem>> -> memref<1x128x128xf32, #tpu.memory_space<vmem>>
    %dma_start3A_484 = tpu.memref_squeeze %dma_start3A_483 : memref<1x128x128xf32, #tpu.memory_space<vmem>> -> memref<128x128xf32, #tpu.memory_space<vmem>>
    %dma_start3A_485 = arith.constant 0 : i32
    %dma_start3A_486 = arith.constant 0 : i32
    %dma_start3A_487 = tpu.memref_slice %arg7[%arg1, %dma_start3A_485, %dma_start3A_486] : memref<16x256x128xf32, #tpu.memory_space<vmem_shared>> -> memref<1x128x128xf32, #tpu.memory_space<vmem_shared>>
    %dma_start3A_488 = tpu.memref_squeeze %dma_start3A_487 : memref<1x128x128xf32, #tpu.memory_space<vmem_shared>> -> memref<128x128xf32, #tpu.memory_space<vmem_shared>>
    tpu.enqueue_dma source(%dma_start3A_488 : memref<128x128xf32, #tpu.memory_space<vmem_shared>>) target(%dma_start3A_484 : memref<128x128xf32, #tpu.memory_space<vmem>>) target_semaphore(%arg11 : memref<!tpu.dma_semaphore, #tpu.memory_space<semaphore_mem>>)
    %dma_wait3A_489 = arith.constant 1 : i32
    %dma_wait3A_490 = arith.constant 2 : i32
    %dma_wait3A_491 = arith.constant 0 : i32
    %dma_wait3A_492 = arith.constant 0 : i32
    %dma_wait3A_493 = tpu.memref_slice %arg8[%dma_wait3A_490, %dma_wait3A_491, %dma_wait3A_492] : memref<5x128x128xf32, #tpu.memory_space<vmem>> -> memref<1x128x128xf32, #tpu.memory_space<vmem>>
    %dma_wait3A_494 = tpu.memref_squeeze %dma_wait3A_493 : memref<1x128x128xf32, #tpu.memory_space<vmem>> -> memref<128x128xf32, #tpu.memory_space<vmem>>
    %dma_wait3A_495 = arith.constant 0 : i32
    %dma_wait3A_496 = tpu.memref_slice %arg6[%dma_wait3A_489, %dma_wait3A_495] : memref<4x256xi32, #tpu.memory_space<vmem>> -> memref<1x128xi32, #tpu.memory_space<vmem>>
    %dma_wait3A_497 = tpu.memref_squeeze %dma_wait3A_496 : memref<1x128xi32, #tpu.memory_space<vmem>> -> memref<128xi32, #tpu.memory_space<vmem>>
    %dma_wait3A_498 = arith.constant 0 : i32
    %dma_wait3A_499 = arith.constant 0 : i32
    %dma_wait3A_500 = tpu.memref_slice %arg3[%dma_wait3A_498, %dma_wait3A_499] : memref<100000x128xf32, #tpu.memory_space<hbm>> -> memref<100000x128xf32, #tpu.memory_space<hbm>>
    tpu.wait_indirect_dma semaphore(%arg14 : memref<!tpu.dma_semaphore, #tpu.memory_space<semaphore_mem>>) src(%dma_wait3A_500 : memref<100000x128xf32, #tpu.memory_space<hbm>>) dst(%dma_wait3A_494 : memref<128x128xf32, #tpu.memory_space<vmem>>)
    %add3A_501 = arith.constant 0 : i32
    %add3A_502 = arith.addi %mul3A_2, %add3A_501 : i32
    %dma_start3A_503 = arith.constant 2 : i32
    %dma_start3A_504 = arith.constant 1 : i32
    %dma_start3A_505 = arith.constant 0 : i32
    %dma_start3A_506 = arith.constant 0 : i32
    %dma_start3A_507 = tpu.memref_slice %arg8[%dma_start3A_503, %dma_start3A_505, %dma_start3A_506] : memref<5x128x128xf32, #tpu.memory_space<vmem>> -> memref<1x128x128xf32, #tpu.memory_space<vmem>>
    %dma_start3A_508 = tpu.memref_squeeze %dma_start3A_507 : memref<1x128x128xf32, #tpu.memory_space<vmem>> -> memref<128x128xf32, #tpu.memory_space<vmem>>
    %dma_start3A_509 = arith.constant 0 : i32
    %dma_start3A_510 = tpu.memref_slice %arg5[%dma_start3A_504, %add3A_502, %dma_start3A_509] : memref<4x8192x128xf32, #tpu.memory_space<hbm>> -> memref<1x128x128xf32, #tpu.memory_space<hbm>>
    %dma_start3A_511 = tpu.memref_squeeze %dma_start3A_510 : memref<1x128x128xf32, #tpu.memory_space<hbm>> -> memref<128x128xf32, #tpu.memory_space<hbm>>
    %dma_start3A_512 = arith.constant 0 : i32
    %dma_start3A_513 = tpu.memref_slice %arg5[%dma_start3A_504, %add3A_502, %dma_start3A_512] : memref<4x8192x128xf32, #tpu.memory_space<hbm>> -> memref<1x128x128xf32, #tpu.memory_space<hbm>>
    %dma_start3A_514 = tpu.memref_squeeze %dma_start3A_513 : memref<1x128x128xf32, #tpu.memory_space<hbm>> -> memref<128x128xf32, #tpu.memory_space<hbm>>
    %dma_start3A_515 = arith.constant 0 : i32
    %dma_start3A_516 = arith.constant 0 : i32
    %dma_start3A_517 = tpu.memref_slice %arg8[%dma_start3A_503, %dma_start3A_515, %dma_start3A_516] : memref<5x128x128xf32, #tpu.memory_space<vmem>> -> memref<1x128x128xf32, #tpu.memory_space<vmem>>
    %dma_start3A_518 = tpu.memref_squeeze %dma_start3A_517 : memref<1x128x128xf32, #tpu.memory_space<vmem>> -> memref<128x128xf32, #tpu.memory_space<vmem>>
    tpu.enqueue_dma source(%dma_start3A_518 : memref<128x128xf32, #tpu.memory_space<vmem>>) target(%dma_start3A_514 : memref<128x128xf32, #tpu.memory_space<hbm>>) target_semaphore(%arg19 : memref<!tpu.dma_semaphore, #tpu.memory_space<semaphore_mem>>)
    %add3A_519 = arith.constant 128 : i32
    %add3A_520 = arith.addi %mul3A_2, %add3A_519 : i32
    %dma_wait3A_521 = arith.constant 0 : i32
    %dma_wait3A_522 = arith.constant 0 : i32
    %dma_wait3A_523 = arith.constant 0 : i32
    %dma_wait3A_524 = tpu.memref_slice %arg8[%dma_wait3A_521, %dma_wait3A_522, %dma_wait3A_523] : memref<5x128x128xf32, #tpu.memory_space<vmem>> -> memref<1x128x128xf32, #tpu.memory_space<vmem>>
    %dma_wait3A_525 = tpu.memref_squeeze %dma_wait3A_524 : memref<1x128x128xf32, #tpu.memory_space<vmem>> -> memref<128x128xf32, #tpu.memory_space<vmem>>
    %dma_wait3A_526 = arith.constant 128 : i32
    %dma_wait3A_527 = arith.constant 0 : i32
    %dma_wait3A_528 = tpu.memref_slice %arg7[%arg1, %dma_wait3A_526, %dma_wait3A_527] : memref<16x256x128xf32, #tpu.memory_space<vmem_shared>> -> memref<1x128x128xf32, #tpu.memory_space<vmem_shared>>
    %dma_wait3A_529 = tpu.memref_squeeze %dma_wait3A_528 : memref<1x128x128xf32, #tpu.memory_space<vmem_shared>> -> memref<128x128xf32, #tpu.memory_space<vmem_shared>>
    %dma_wait3A_530 = arith.constant 0 : i32
    %dma_wait3A_531 = arith.constant 0 : i32
    %dma_wait3A_532 = tpu.memref_slice %arg8[%dma_wait3A_521, %dma_wait3A_530, %dma_wait3A_531] : memref<5x128x128xf32, #tpu.memory_space<vmem>> -> memref<1x128x128xf32, #tpu.memory_space<vmem>>
    %dma_wait3A_533 = tpu.memref_squeeze %dma_wait3A_532 : memref<1x128x128xf32, #tpu.memory_space<vmem>> -> memref<128x128xf32, #tpu.memory_space<vmem>>
    %dma_wait3A_534 = arith.constant 128 : i32
    %dma_wait3A_535 = arith.constant 0 : i32
    %dma_wait3A_536 = tpu.memref_slice %arg7[%arg1, %dma_wait3A_534, %dma_wait3A_535] : memref<16x256x128xf32, #tpu.memory_space<vmem_shared>> -> memref<1x128x128xf32, #tpu.memory_space<vmem_shared>>
    %dma_wait3A_537 = tpu.memref_squeeze %dma_wait3A_536 : memref<1x128x128xf32, #tpu.memory_space<vmem_shared>> -> memref<128x128xf32, #tpu.memory_space<vmem_shared>>
    tpu.wait_dma2 semaphore(%arg11 : memref<!tpu.dma_semaphore, #tpu.memory_space<semaphore_mem>>) src(%dma_wait3A_537 : memref<128x128xf32, #tpu.memory_space<vmem_shared>>) dst(%dma_wait3A_533 : memref<128x128xf32, #tpu.memory_space<vmem>>)
    %dma_start3A_538 = arith.constant 2 : i32
    %dma_start3A_539 = arith.constant 0 : i32
    %dma_start3A_540 = arith.constant 0 : i32
    %dma_start3A_541 = arith.constant 0 : i32
    %dma_start3A_542 = tpu.memref_slice %arg8[%dma_start3A_539, %dma_start3A_540, %dma_start3A_541] : memref<5x128x128xf32, #tpu.memory_space<vmem>> -> memref<1x128x128xf32, #tpu.memory_space<vmem>>
    %dma_start3A_543 = tpu.memref_squeeze %dma_start3A_542 : memref<1x128x128xf32, #tpu.memory_space<vmem>> -> memref<128x128xf32, #tpu.memory_space<vmem>>
    %dma_start3A_544 = arith.constant 128 : i32
    %dma_start3A_545 = tpu.memref_slice %arg6[%dma_start3A_538, %dma_start3A_544] : memref<4x256xi32, #tpu.memory_space<vmem>> -> memref<1x128xi32, #tpu.memory_space<vmem>>
    %dma_start3A_546 = tpu.memref_squeeze %dma_start3A_545 : memref<1x128xi32, #tpu.memory_space<vmem>> -> memref<128xi32, #tpu.memory_space<vmem>>
    %dma_start3A_547 = arith.constant 0 : i32
    %dma_start3A_548 = arith.constant 0 : i32
    %dma_start3A_549 = tpu.memref_slice %arg3[%dma_start3A_547, %dma_start3A_548] : memref<100000x128xf32, #tpu.memory_space<hbm>> -> memref<100000x128xf32, #tpu.memory_space<hbm>>
    tpu.enqueue_indirect_dma source(%dma_start3A_549 : memref<100000x128xf32, #tpu.memory_space<hbm>>) target(%dma_start3A_543 : memref<128x128xf32, #tpu.memory_space<vmem>>) offsets(%dma_start3A_546 : memref<128xi32, #tpu.memory_space<vmem>>) semaphore(%arg12 : memref<!tpu.dma_semaphore, #tpu.memory_space<semaphore_mem>>) {add = true}
    %dma_wait3A_550 = arith.constant 2 : i32
    %dma_wait3A_551 = arith.constant 1 : i32
    %dma_wait3A_552 = arith.constant 0 : i32
    %dma_wait3A_553 = arith.constant 0 : i32
    %dma_wait3A_554 = tpu.memref_slice %arg8[%dma_wait3A_550, %dma_wait3A_552, %dma_wait3A_553] : memref<5x128x128xf32, #tpu.memory_space<vmem>> -> memref<1x128x128xf32, #tpu.memory_space<vmem>>
    %dma_wait3A_555 = tpu.memref_squeeze %dma_wait3A_554 : memref<1x128x128xf32, #tpu.memory_space<vmem>> -> memref<128x128xf32, #tpu.memory_space<vmem>>
    %dma_wait3A_556 = arith.constant 0 : i32
    %dma_wait3A_557 = tpu.memref_slice %arg5[%dma_wait3A_551, %add3A_502, %dma_wait3A_556] : memref<4x8192x128xf32, #tpu.memory_space<hbm>> -> memref<1x128x128xf32, #tpu.memory_space<hbm>>
    %dma_wait3A_558 = tpu.memref_squeeze %dma_wait3A_557 : memref<1x128x128xf32, #tpu.memory_space<hbm>> -> memref<128x128xf32, #tpu.memory_space<hbm>>
    %dma_wait3A_559 = arith.constant 0 : i32
    %dma_wait3A_560 = tpu.memref_slice %arg5[%dma_wait3A_551, %add3A_502, %dma_wait3A_559] : memref<4x8192x128xf32, #tpu.memory_space<hbm>> -> memref<1x128x128xf32, #tpu.memory_space<hbm>>
    %dma_wait3A_561 = tpu.memref_squeeze %dma_wait3A_560 : memref<1x128x128xf32, #tpu.memory_space<hbm>> -> memref<128x128xf32, #tpu.memory_space<hbm>>
    %dma_wait3A_562 = arith.constant 0 : i32
    %dma_wait3A_563 = arith.constant 0 : i32
    %dma_wait3A_564 = tpu.memref_slice %arg8[%dma_wait3A_550, %dma_wait3A_562, %dma_wait3A_563] : memref<5x128x128xf32, #tpu.memory_space<vmem>> -> memref<1x128x128xf32, #tpu.memory_space<vmem>>
    %dma_wait3A_565 = tpu.memref_squeeze %dma_wait3A_564 : memref<1x128x128xf32, #tpu.memory_space<vmem>> -> memref<128x128xf32, #tpu.memory_space<vmem>>
    tpu.wait_dma2 semaphore(%arg19 : memref<!tpu.dma_semaphore, #tpu.memory_space<semaphore_mem>>) src(%dma_wait3A_565 : memref<128x128xf32, #tpu.memory_space<vmem>>) dst(%dma_wait3A_561 : memref<128x128xf32, #tpu.memory_space<hbm>>)
    %add3A_566 = arith.constant 128 : i32
    %add3A_567 = arith.addi %mul3A_2, %add3A_566 : i32
    %dma_start3A_568 = arith.constant 2 : i32
    %dma_start3A_569 = arith.constant 0 : i32
    %dma_start3A_570 = arith.constant 0 : i32
    %dma_start3A_571 = tpu.memref_slice %arg8[%dma_start3A_568, %dma_start3A_569, %dma_start3A_570] : memref<5x128x128xf32, #tpu.memory_space<vmem>> -> memref<1x128x128xf32, #tpu.memory_space<vmem>>
    %dma_start3A_572 = tpu.memref_squeeze %dma_start3A_571 : memref<1x128x128xf32, #tpu.memory_space<vmem>> -> memref<128x128xf32, #tpu.memory_space<vmem>>
    %dma_start3A_573 = arith.constant 128 : i32
    %dma_start3A_574 = arith.constant 0 : i32
    %dma_start3A_575 = tpu.memref_slice %arg7[%arg1, %dma_start3A_573, %dma_start3A_574] : memref<16x256x128xf32, #tpu.memory_space<vmem_shared>> -> memref<1x128x128xf32, #tpu.memory_space<vmem_shared>>
    %dma_start3A_576 = tpu.memref_squeeze %dma_start3A_575 : memref<1x128x128xf32, #tpu.memory_space<vmem_shared>> -> memref<128x128xf32, #tpu.memory_space<vmem_shared>>
    %dma_start3A_577 = arith.constant 0 : i32
    %dma_start3A_578 = arith.constant 0 : i32
    %dma_start3A_579 = tpu.memref_slice %arg8[%dma_start3A_568, %dma_start3A_577, %dma_start3A_578] : memref<5x128x128xf32, #tpu.memory_space<vmem>> -> memref<1x128x128xf32, #tpu.memory_space<vmem>>
    %dma_start3A_580 = tpu.memref_squeeze %dma_start3A_579 : memref<1x128x128xf32, #tpu.memory_space<vmem>> -> memref<128x128xf32, #tpu.memory_space<vmem>>
    %dma_start3A_581 = arith.constant 128 : i32
    %dma_start3A_582 = arith.constant 0 : i32
    %dma_start3A_583 = tpu.memref_slice %arg7[%arg1, %dma_start3A_581, %dma_start3A_582] : memref<16x256x128xf32, #tpu.memory_space<vmem_shared>> -> memref<1x128x128xf32, #tpu.memory_space<vmem_shared>>
    %dma_start3A_584 = tpu.memref_squeeze %dma_start3A_583 : memref<1x128x128xf32, #tpu.memory_space<vmem_shared>> -> memref<128x128xf32, #tpu.memory_space<vmem_shared>>
    tpu.enqueue_dma source(%dma_start3A_584 : memref<128x128xf32, #tpu.memory_space<vmem_shared>>) target(%dma_start3A_580 : memref<128x128xf32, #tpu.memory_space<vmem>>) target_semaphore(%arg11 : memref<!tpu.dma_semaphore, #tpu.memory_space<semaphore_mem>>)
    %dma_wait3A_585 = arith.constant 1 : i32
    %dma_wait3A_586 = arith.constant 3 : i32
    %dma_wait3A_587 = arith.constant 0 : i32
    %dma_wait3A_588 = arith.constant 0 : i32
    %dma_wait3A_589 = tpu.memref_slice %arg8[%dma_wait3A_586, %dma_wait3A_587, %dma_wait3A_588] : memref<5x128x128xf32, #tpu.memory_space<vmem>> -> memref<1x128x128xf32, #tpu.memory_space<vmem>>
    %dma_wait3A_590 = tpu.memref_squeeze %dma_wait3A_589 : memref<1x128x128xf32, #tpu.memory_space<vmem>> -> memref<128x128xf32, #tpu.memory_space<vmem>>
    %dma_wait3A_591 = arith.constant 128 : i32
    %dma_wait3A_592 = tpu.memref_slice %arg6[%dma_wait3A_585, %dma_wait3A_591] : memref<4x256xi32, #tpu.memory_space<vmem>> -> memref<1x128xi32, #tpu.memory_space<vmem>>
    %dma_wait3A_593 = tpu.memref_squeeze %dma_wait3A_592 : memref<1x128xi32, #tpu.memory_space<vmem>> -> memref<128xi32, #tpu.memory_space<vmem>>
    %dma_wait3A_594 = arith.constant 0 : i32
    %dma_wait3A_595 = arith.constant 0 : i32
    %dma_wait3A_596 = tpu.memref_slice %arg3[%dma_wait3A_594, %dma_wait3A_595] : memref<100000x128xf32, #tpu.memory_space<hbm>> -> memref<100000x128xf32, #tpu.memory_space<hbm>>
    tpu.wait_indirect_dma semaphore(%arg15 : memref<!tpu.dma_semaphore, #tpu.memory_space<semaphore_mem>>) src(%dma_wait3A_596 : memref<100000x128xf32, #tpu.memory_space<hbm>>) dst(%dma_wait3A_590 : memref<128x128xf32, #tpu.memory_space<vmem>>)
    %add3A_597 = arith.constant 128 : i32
    %add3A_598 = arith.addi %mul3A_2, %add3A_597 : i32
    %dma_start3A_599 = arith.constant 3 : i32
    %dma_start3A_600 = arith.constant 1 : i32
    %dma_start3A_601 = arith.constant 0 : i32
    %dma_start3A_602 = arith.constant 0 : i32
    %dma_start3A_603 = tpu.memref_slice %arg8[%dma_start3A_599, %dma_start3A_601, %dma_start3A_602] : memref<5x128x128xf32, #tpu.memory_space<vmem>> -> memref<1x128x128xf32, #tpu.memory_space<vmem>>
    %dma_start3A_604 = tpu.memref_squeeze %dma_start3A_603 : memref<1x128x128xf32, #tpu.memory_space<vmem>> -> memref<128x128xf32, #tpu.memory_space<vmem>>
    %dma_start3A_605 = arith.constant 0 : i32
    %dma_start3A_606 = tpu.memref_slice %arg5[%dma_start3A_600, %add3A_598, %dma_start3A_605] : memref<4x8192x128xf32, #tpu.memory_space<hbm>> -> memref<1x128x128xf32, #tpu.memory_space<hbm>>
    %dma_start3A_607 = tpu.memref_squeeze %dma_start3A_606 : memref<1x128x128xf32, #tpu.memory_space<hbm>> -> memref<128x128xf32, #tpu.memory_space<hbm>>
    %dma_start3A_608 = arith.constant 0 : i32
    %dma_start3A_609 = tpu.memref_slice %arg5[%dma_start3A_600, %add3A_598, %dma_start3A_608] : memref<4x8192x128xf32, #tpu.memory_space<hbm>> -> memref<1x128x128xf32, #tpu.memory_space<hbm>>
    %dma_start3A_610 = tpu.memref_squeeze %dma_start3A_609 : memref<1x128x128xf32, #tpu.memory_space<hbm>> -> memref<128x128xf32, #tpu.memory_space<hbm>>
    %dma_start3A_611 = arith.constant 0 : i32
    %dma_start3A_612 = arith.constant 0 : i32
    %dma_start3A_613 = tpu.memref_slice %arg8[%dma_start3A_599, %dma_start3A_611, %dma_start3A_612] : memref<5x128x128xf32, #tpu.memory_space<vmem>> -> memref<1x128x128xf32, #tpu.memory_space<vmem>>
    %dma_start3A_614 = tpu.memref_squeeze %dma_start3A_613 : memref<1x128x128xf32, #tpu.memory_space<vmem>> -> memref<128x128xf32, #tpu.memory_space<vmem>>
    tpu.enqueue_dma source(%dma_start3A_614 : memref<128x128xf32, #tpu.memory_space<vmem>>) target(%dma_start3A_610 : memref<128x128xf32, #tpu.memory_space<hbm>>) target_semaphore(%arg20 : memref<!tpu.dma_semaphore, #tpu.memory_space<semaphore_mem>>)
    %add3A_615 = arith.constant 0 : i32
    %add3A_616 = arith.addi %mul3A_2, %add3A_615 : i32
    %dma_wait3A_617 = arith.constant 1 : i32
    %dma_wait3A_618 = arith.constant 0 : i32
    %dma_wait3A_619 = arith.constant 0 : i32
    %dma_wait3A_620 = tpu.memref_slice %arg8[%dma_wait3A_617, %dma_wait3A_618, %dma_wait3A_619] : memref<5x128x128xf32, #tpu.memory_space<vmem>> -> memref<1x128x128xf32, #tpu.memory_space<vmem>>
    %dma_wait3A_621 = tpu.memref_squeeze %dma_wait3A_620 : memref<1x128x128xf32, #tpu.memory_space<vmem>> -> memref<128x128xf32, #tpu.memory_space<vmem>>
    %dma_wait3A_622 = arith.constant 0 : i32
    %dma_wait3A_623 = arith.constant 0 : i32
    %dma_wait3A_624 = tpu.memref_slice %arg7[%arg1, %dma_wait3A_622, %dma_wait3A_623] : memref<16x256x128xf32, #tpu.memory_space<vmem_shared>> -> memref<1x128x128xf32, #tpu.memory_space<vmem_shared>>
    %dma_wait3A_625 = tpu.memref_squeeze %dma_wait3A_624 : memref<1x128x128xf32, #tpu.memory_space<vmem_shared>> -> memref<128x128xf32, #tpu.memory_space<vmem_shared>>
    %dma_wait3A_626 = arith.constant 0 : i32
    %dma_wait3A_627 = arith.constant 0 : i32
    %dma_wait3A_628 = tpu.memref_slice %arg8[%dma_wait3A_617, %dma_wait3A_626, %dma_wait3A_627] : memref<5x128x128xf32, #tpu.memory_space<vmem>> -> memref<1x128x128xf32, #tpu.memory_space<vmem>>
    %dma_wait3A_629 = tpu.memref_squeeze %dma_wait3A_628 : memref<1x128x128xf32, #tpu.memory_space<vmem>> -> memref<128x128xf32, #tpu.memory_space<vmem>>
    %dma_wait3A_630 = arith.constant 0 : i32
    %dma_wait3A_631 = arith.constant 0 : i32
    %dma_wait3A_632 = tpu.memref_slice %arg7[%arg1, %dma_wait3A_630, %dma_wait3A_631] : memref<16x256x128xf32, #tpu.memory_space<vmem_shared>> -> memref<1x128x128xf32, #tpu.memory_space<vmem_shared>>
    %dma_wait3A_633 = tpu.memref_squeeze %dma_wait3A_632 : memref<1x128x128xf32, #tpu.memory_space<vmem_shared>> -> memref<128x128xf32, #tpu.memory_space<vmem_shared>>
    tpu.wait_dma2 semaphore(%arg11 : memref<!tpu.dma_semaphore, #tpu.memory_space<semaphore_mem>>) src(%dma_wait3A_633 : memref<128x128xf32, #tpu.memory_space<vmem_shared>>) dst(%dma_wait3A_629 : memref<128x128xf32, #tpu.memory_space<vmem>>)
    %dma_start3A_634 = arith.constant 3 : i32
    %dma_start3A_635 = arith.constant 1 : i32
    %dma_start3A_636 = arith.constant 0 : i32
    %dma_start3A_637 = arith.constant 0 : i32
    %dma_start3A_638 = tpu.memref_slice %arg8[%dma_start3A_635, %dma_start3A_636, %dma_start3A_637] : memref<5x128x128xf32, #tpu.memory_space<vmem>> -> memref<1x128x128xf32, #tpu.memory_space<vmem>>
    %dma_start3A_639 = tpu.memref_squeeze %dma_start3A_638 : memref<1x128x128xf32, #tpu.memory_space<vmem>> -> memref<128x128xf32, #tpu.memory_space<vmem>>
    %dma_start3A_640 = arith.constant 0 : i32
    %dma_start3A_641 = tpu.memref_slice %arg6[%dma_start3A_634, %dma_start3A_640] : memref<4x256xi32, #tpu.memory_space<vmem>> -> memref<1x128xi32, #tpu.memory_space<vmem>>
    %dma_start3A_642 = tpu.memref_squeeze %dma_start3A_641 : memref<1x128xi32, #tpu.memory_space<vmem>> -> memref<128xi32, #tpu.memory_space<vmem>>
    %dma_start3A_643 = arith.constant 0 : i32
    %dma_start3A_644 = arith.constant 0 : i32
    %dma_start3A_645 = tpu.memref_slice %arg3[%dma_start3A_643, %dma_start3A_644] : memref<100000x128xf32, #tpu.memory_space<hbm>> -> memref<100000x128xf32, #tpu.memory_space<hbm>>
    tpu.enqueue_indirect_dma source(%dma_start3A_645 : memref<100000x128xf32, #tpu.memory_space<hbm>>) target(%dma_start3A_639 : memref<128x128xf32, #tpu.memory_space<vmem>>) offsets(%dma_start3A_642 : memref<128xi32, #tpu.memory_space<vmem>>) semaphore(%arg13 : memref<!tpu.dma_semaphore, #tpu.memory_space<semaphore_mem>>) {add = true}
    %dma_wait3A_646 = arith.constant 2 : i32
    %dma_wait3A_647 = arith.constant 4 : i32
    %dma_wait3A_648 = arith.constant 0 : i32
    %dma_wait3A_649 = arith.constant 0 : i32
    %dma_wait3A_650 = tpu.memref_slice %arg8[%dma_wait3A_647, %dma_wait3A_648, %dma_wait3A_649] : memref<5x128x128xf32, #tpu.memory_space<vmem>> -> memref<1x128x128xf32, #tpu.memory_space<vmem>>
    %dma_wait3A_651 = tpu.memref_squeeze %dma_wait3A_650 : memref<1x128x128xf32, #tpu.memory_space<vmem>> -> memref<128x128xf32, #tpu.memory_space<vmem>>
    %dma_wait3A_652 = arith.constant 0 : i32
    %dma_wait3A_653 = tpu.memref_slice %arg6[%dma_wait3A_646, %dma_wait3A_652] : memref<4x256xi32, #tpu.memory_space<vmem>> -> memref<1x128xi32, #tpu.memory_space<vmem>>
    %dma_wait3A_654 = tpu.memref_squeeze %dma_wait3A_653 : memref<1x128xi32, #tpu.memory_space<vmem>> -> memref<128xi32, #tpu.memory_space<vmem>>
    %dma_wait3A_655 = arith.constant 0 : i32
    %dma_wait3A_656 = arith.constant 0 : i32
    %dma_wait3A_657 = tpu.memref_slice %arg3[%dma_wait3A_655, %dma_wait3A_656] : memref<100000x128xf32, #tpu.memory_space<hbm>> -> memref<100000x128xf32, #tpu.memory_space<hbm>>
    tpu.wait_indirect_dma semaphore(%arg16 : memref<!tpu.dma_semaphore, #tpu.memory_space<semaphore_mem>>) src(%dma_wait3A_657 : memref<100000x128xf32, #tpu.memory_space<hbm>>) dst(%dma_wait3A_651 : memref<128x128xf32, #tpu.memory_space<vmem>>)
    %add3A_658 = arith.constant 0 : i32
    %add3A_659 = arith.addi %mul3A_2, %add3A_658 : i32
    %dma_start3A_660 = arith.constant 4 : i32
    %dma_start3A_661 = arith.constant 2 : i32
    %dma_start3A_662 = arith.constant 0 : i32
    %dma_start3A_663 = arith.constant 0 : i32
    %dma_start3A_664 = tpu.memref_slice %arg8[%dma_start3A_660, %dma_start3A_662, %dma_start3A_663] : memref<5x128x128xf32, #tpu.memory_space<vmem>> -> memref<1x128x128xf32, #tpu.memory_space<vmem>>
    %dma_start3A_665 = tpu.memref_squeeze %dma_start3A_664 : memref<1x128x128xf32, #tpu.memory_space<vmem>> -> memref<128x128xf32, #tpu.memory_space<vmem>>
    %dma_start3A_666 = arith.constant 0 : i32
    %dma_start3A_667 = tpu.memref_slice %arg5[%dma_start3A_661, %add3A_659, %dma_start3A_666] : memref<4x8192x128xf32, #tpu.memory_space<hbm>> -> memref<1x128x128xf32, #tpu.memory_space<hbm>>
    %dma_start3A_668 = tpu.memref_squeeze %dma_start3A_667 : memref<1x128x128xf32, #tpu.memory_space<hbm>> -> memref<128x128xf32, #tpu.memory_space<hbm>>
    %dma_start3A_669 = arith.constant 0 : i32
    %dma_start3A_670 = tpu.memref_slice %arg5[%dma_start3A_661, %add3A_659, %dma_start3A_669] : memref<4x8192x128xf32, #tpu.memory_space<hbm>> -> memref<1x128x128xf32, #tpu.memory_space<hbm>>
    %dma_start3A_671 = tpu.memref_squeeze %dma_start3A_670 : memref<1x128x128xf32, #tpu.memory_space<hbm>> -> memref<128x128xf32, #tpu.memory_space<hbm>>
    %dma_start3A_672 = arith.constant 0 : i32
    %dma_start3A_673 = arith.constant 0 : i32
    %dma_start3A_674 = tpu.memref_slice %arg8[%dma_start3A_660, %dma_start3A_672, %dma_start3A_673] : memref<5x128x128xf32, #tpu.memory_space<vmem>> -> memref<1x128x128xf32, #tpu.memory_space<vmem>>
    %dma_start3A_675 = tpu.memref_squeeze %dma_start3A_674 : memref<1x128x128xf32, #tpu.memory_space<vmem>> -> memref<128x128xf32, #tpu.memory_space<vmem>>
    tpu.enqueue_dma source(%dma_start3A_675 : memref<128x128xf32, #tpu.memory_space<vmem>>) target(%dma_start3A_671 : memref<128x128xf32, #tpu.memory_space<hbm>>) target_semaphore(%arg21 : memref<!tpu.dma_semaphore, #tpu.memory_space<semaphore_mem>>)
    %add3A_676 = arith.constant 128 : i32
    %add3A_677 = arith.addi %mul3A_2, %add3A_676 : i32
    %dma_wait3A_678 = arith.constant 2 : i32
    %dma_wait3A_679 = arith.constant 0 : i32
    %dma_wait3A_680 = arith.constant 0 : i32
    %dma_wait3A_681 = tpu.memref_slice %arg8[%dma_wait3A_678, %dma_wait3A_679, %dma_wait3A_680] : memref<5x128x128xf32, #tpu.memory_space<vmem>> -> memref<1x128x128xf32, #tpu.memory_space<vmem>>
    %dma_wait3A_682 = tpu.memref_squeeze %dma_wait3A_681 : memref<1x128x128xf32, #tpu.memory_space<vmem>> -> memref<128x128xf32, #tpu.memory_space<vmem>>
    %dma_wait3A_683 = arith.constant 128 : i32
    %dma_wait3A_684 = arith.constant 0 : i32
    %dma_wait3A_685 = tpu.memref_slice %arg7[%arg1, %dma_wait3A_683, %dma_wait3A_684] : memref<16x256x128xf32, #tpu.memory_space<vmem_shared>> -> memref<1x128x128xf32, #tpu.memory_space<vmem_shared>>
    %dma_wait3A_686 = tpu.memref_squeeze %dma_wait3A_685 : memref<1x128x128xf32, #tpu.memory_space<vmem_shared>> -> memref<128x128xf32, #tpu.memory_space<vmem_shared>>
    %dma_wait3A_687 = arith.constant 0 : i32
    %dma_wait3A_688 = arith.constant 0 : i32
    %dma_wait3A_689 = tpu.memref_slice %arg8[%dma_wait3A_678, %dma_wait3A_687, %dma_wait3A_688] : memref<5x128x128xf32, #tpu.memory_space<vmem>> -> memref<1x128x128xf32, #tpu.memory_space<vmem>>
    %dma_wait3A_690 = tpu.memref_squeeze %dma_wait3A_689 : memref<1x128x128xf32, #tpu.memory_space<vmem>> -> memref<128x128xf32, #tpu.memory_space<vmem>>
    %dma_wait3A_691 = arith.constant 128 : i32
    %dma_wait3A_692 = arith.constant 0 : i32
    %dma_wait3A_693 = tpu.memref_slice %arg7[%arg1, %dma_wait3A_691, %dma_wait3A_692] : memref<16x256x128xf32, #tpu.memory_space<vmem_shared>> -> memref<1x128x128xf32, #tpu.memory_space<vmem_shared>>
    %dma_wait3A_694 = tpu.memref_squeeze %dma_wait3A_693 : memref<1x128x128xf32, #tpu.memory_space<vmem_shared>> -> memref<128x128xf32, #tpu.memory_space<vmem_shared>>
    tpu.wait_dma2 semaphore(%arg11 : memref<!tpu.dma_semaphore, #tpu.memory_space<semaphore_mem>>) src(%dma_wait3A_694 : memref<128x128xf32, #tpu.memory_space<vmem_shared>>) dst(%dma_wait3A_690 : memref<128x128xf32, #tpu.memory_space<vmem>>)
    %dma_start3A_695 = arith.constant 3 : i32
    %dma_start3A_696 = arith.constant 2 : i32
    %dma_start3A_697 = arith.constant 0 : i32
    %dma_start3A_698 = arith.constant 0 : i32
    %dma_start3A_699 = tpu.memref_slice %arg8[%dma_start3A_696, %dma_start3A_697, %dma_start3A_698] : memref<5x128x128xf32, #tpu.memory_space<vmem>> -> memref<1x128x128xf32, #tpu.memory_space<vmem>>
    %dma_start3A_700 = tpu.memref_squeeze %dma_start3A_699 : memref<1x128x128xf32, #tpu.memory_space<vmem>> -> memref<128x128xf32, #tpu.memory_space<vmem>>
    %dma_start3A_701 = arith.constant 128 : i32
    %dma_start3A_702 = tpu.memref_slice %arg6[%dma_start3A_695, %dma_start3A_701] : memref<4x256xi32, #tpu.memory_space<vmem>> -> memref<1x128xi32, #tpu.memory_space<vmem>>
    %dma_start3A_703 = tpu.memref_squeeze %dma_start3A_702 : memref<1x128xi32, #tpu.memory_space<vmem>> -> memref<128xi32, #tpu.memory_space<vmem>>
    %dma_start3A_704 = arith.constant 0 : i32
    %dma_start3A_705 = arith.constant 0 : i32
    %dma_start3A_706 = tpu.memref_slice %arg3[%dma_start3A_704, %dma_start3A_705] : memref<100000x128xf32, #tpu.memory_space<hbm>> -> memref<100000x128xf32, #tpu.memory_space<hbm>>
    tpu.enqueue_indirect_dma source(%dma_start3A_706 : memref<100000x128xf32, #tpu.memory_space<hbm>>) target(%dma_start3A_700 : memref<128x128xf32, #tpu.memory_space<vmem>>) offsets(%dma_start3A_703 : memref<128xi32, #tpu.memory_space<vmem>>) semaphore(%arg14 : memref<!tpu.dma_semaphore, #tpu.memory_space<semaphore_mem>>) {add = true}
    %dma_wait3A_707 = arith.constant 2 : i32
    %dma_wait3A_708 = arith.constant 0 : i32
    %dma_wait3A_709 = arith.constant 0 : i32
    %dma_wait3A_710 = arith.constant 0 : i32
    %dma_wait3A_711 = tpu.memref_slice %arg8[%dma_wait3A_708, %dma_wait3A_709, %dma_wait3A_710] : memref<5x128x128xf32, #tpu.memory_space<vmem>> -> memref<1x128x128xf32, #tpu.memory_space<vmem>>
    %dma_wait3A_712 = tpu.memref_squeeze %dma_wait3A_711 : memref<1x128x128xf32, #tpu.memory_space<vmem>> -> memref<128x128xf32, #tpu.memory_space<vmem>>
    %dma_wait3A_713 = arith.constant 128 : i32
    %dma_wait3A_714 = tpu.memref_slice %arg6[%dma_wait3A_707, %dma_wait3A_713] : memref<4x256xi32, #tpu.memory_space<vmem>> -> memref<1x128xi32, #tpu.memory_space<vmem>>
    %dma_wait3A_715 = tpu.memref_squeeze %dma_wait3A_714 : memref<1x128xi32, #tpu.memory_space<vmem>> -> memref<128xi32, #tpu.memory_space<vmem>>
    %dma_wait3A_716 = arith.constant 0 : i32
    %dma_wait3A_717 = arith.constant 0 : i32
    %dma_wait3A_718 = tpu.memref_slice %arg3[%dma_wait3A_716, %dma_wait3A_717] : memref<100000x128xf32, #tpu.memory_space<hbm>> -> memref<100000x128xf32, #tpu.memory_space<hbm>>
    tpu.wait_indirect_dma semaphore(%arg12 : memref<!tpu.dma_semaphore, #tpu.memory_space<semaphore_mem>>) src(%dma_wait3A_718 : memref<100000x128xf32, #tpu.memory_space<hbm>>) dst(%dma_wait3A_712 : memref<128x128xf32, #tpu.memory_space<vmem>>)
    %add3A_719 = arith.constant 128 : i32
    %add3A_720 = arith.addi %mul3A_2, %add3A_719 : i32
    %dma_start3A_721 = arith.constant 0 : i32
    %dma_start3A_722 = arith.constant 2 : i32
    %dma_start3A_723 = arith.constant 0 : i32
    %dma_start3A_724 = arith.constant 0 : i32
    %dma_start3A_725 = tpu.memref_slice %arg8[%dma_start3A_721, %dma_start3A_723, %dma_start3A_724] : memref<5x128x128xf32, #tpu.memory_space<vmem>> -> memref<1x128x128xf32, #tpu.memory_space<vmem>>
    %dma_start3A_726 = tpu.memref_squeeze %dma_start3A_725 : memref<1x128x128xf32, #tpu.memory_space<vmem>> -> memref<128x128xf32, #tpu.memory_space<vmem>>
    %dma_start3A_727 = arith.constant 0 : i32
    %dma_start3A_728 = tpu.memref_slice %arg5[%dma_start3A_722, %add3A_720, %dma_start3A_727] : memref<4x8192x128xf32, #tpu.memory_space<hbm>> -> memref<1x128x128xf32, #tpu.memory_space<hbm>>
    %dma_start3A_729 = tpu.memref_squeeze %dma_start3A_728 : memref<1x128x128xf32, #tpu.memory_space<hbm>> -> memref<128x128xf32, #tpu.memory_space<hbm>>
    %dma_start3A_730 = arith.constant 0 : i32
    %dma_start3A_731 = tpu.memref_slice %arg5[%dma_start3A_722, %add3A_720, %dma_start3A_730] : memref<4x8192x128xf32, #tpu.memory_space<hbm>> -> memref<1x128x128xf32, #tpu.memory_space<hbm>>
    %dma_start3A_732 = tpu.memref_squeeze %dma_start3A_731 : memref<1x128x128xf32, #tpu.memory_space<hbm>> -> memref<128x128xf32, #tpu.memory_space<hbm>>
    %dma_start3A_733 = arith.constant 0 : i32
    %dma_start3A_734 = arith.constant 0 : i32
    %dma_start3A_735 = tpu.memref_slice %arg8[%dma_start3A_721, %dma_start3A_733, %dma_start3A_734] : memref<5x128x128xf32, #tpu.memory_space<vmem>> -> memref<1x128x128xf32, #tpu.memory_space<vmem>>
    %dma_start3A_736 = tpu.memref_squeeze %dma_start3A_735 : memref<1x128x128xf32, #tpu.memory_space<vmem>> -> memref<128x128xf32, #tpu.memory_space<vmem>>
    tpu.enqueue_dma source(%dma_start3A_736 : memref<128x128xf32, #tpu.memory_space<vmem>>) target(%dma_start3A_732 : memref<128x128xf32, #tpu.memory_space<hbm>>) target_semaphore(%arg17 : memref<!tpu.dma_semaphore, #tpu.memory_space<semaphore_mem>>)
    %dma_wait3A_737 = arith.constant 3 : i32
    %dma_wait3A_738 = arith.constant 1 : i32
    %dma_wait3A_739 = arith.constant 0 : i32
    %dma_wait3A_740 = arith.constant 0 : i32
    %dma_wait3A_741 = tpu.memref_slice %arg8[%dma_wait3A_738, %dma_wait3A_739, %dma_wait3A_740] : memref<5x128x128xf32, #tpu.memory_space<vmem>> -> memref<1x128x128xf32, #tpu.memory_space<vmem>>
    %dma_wait3A_742 = tpu.memref_squeeze %dma_wait3A_741 : memref<1x128x128xf32, #tpu.memory_space<vmem>> -> memref<128x128xf32, #tpu.memory_space<vmem>>
    %dma_wait3A_743 = arith.constant 0 : i32
    %dma_wait3A_744 = tpu.memref_slice %arg6[%dma_wait3A_737, %dma_wait3A_743] : memref<4x256xi32, #tpu.memory_space<vmem>> -> memref<1x128xi32, #tpu.memory_space<vmem>>
    %dma_wait3A_745 = tpu.memref_squeeze %dma_wait3A_744 : memref<1x128xi32, #tpu.memory_space<vmem>> -> memref<128xi32, #tpu.memory_space<vmem>>
    %dma_wait3A_746 = arith.constant 0 : i32
    %dma_wait3A_747 = arith.constant 0 : i32
    %dma_wait3A_748 = tpu.memref_slice %arg3[%dma_wait3A_746, %dma_wait3A_747] : memref<100000x128xf32, #tpu.memory_space<hbm>> -> memref<100000x128xf32, #tpu.memory_space<hbm>>
    tpu.wait_indirect_dma semaphore(%arg13 : memref<!tpu.dma_semaphore, #tpu.memory_space<semaphore_mem>>) src(%dma_wait3A_748 : memref<100000x128xf32, #tpu.memory_space<hbm>>) dst(%dma_wait3A_742 : memref<128x128xf32, #tpu.memory_space<vmem>>)
    %add3A_749 = arith.constant 0 : i32
    %add3A_750 = arith.addi %mul3A_2, %add3A_749 : i32
    %dma_start3A_751 = arith.constant 1 : i32
    %dma_start3A_752 = arith.constant 3 : i32
    %dma_start3A_753 = arith.constant 0 : i32
    %dma_start3A_754 = arith.constant 0 : i32
    %dma_start3A_755 = tpu.memref_slice %arg8[%dma_start3A_751, %dma_start3A_753, %dma_start3A_754] : memref<5x128x128xf32, #tpu.memory_space<vmem>> -> memref<1x128x128xf32, #tpu.memory_space<vmem>>
    %dma_start3A_756 = tpu.memref_squeeze %dma_start3A_755 : memref<1x128x128xf32, #tpu.memory_space<vmem>> -> memref<128x128xf32, #tpu.memory_space<vmem>>
    %dma_start3A_757 = arith.constant 0 : i32
    %dma_start3A_758 = tpu.memref_slice %arg5[%dma_start3A_752, %add3A_750, %dma_start3A_757] : memref<4x8192x128xf32, #tpu.memory_space<hbm>> -> memref<1x128x128xf32, #tpu.memory_space<hbm>>
    %dma_start3A_759 = tpu.memref_squeeze %dma_start3A_758 : memref<1x128x128xf32, #tpu.memory_space<hbm>> -> memref<128x128xf32, #tpu.memory_space<hbm>>
    %dma_start3A_760 = arith.constant 0 : i32
    %dma_start3A_761 = tpu.memref_slice %arg5[%dma_start3A_752, %add3A_750, %dma_start3A_760] : memref<4x8192x128xf32, #tpu.memory_space<hbm>> -> memref<1x128x128xf32, #tpu.memory_space<hbm>>
    %dma_start3A_762 = tpu.memref_squeeze %dma_start3A_761 : memref<1x128x128xf32, #tpu.memory_space<hbm>> -> memref<128x128xf32, #tpu.memory_space<hbm>>
    %dma_start3A_763 = arith.constant 0 : i32
    %dma_start3A_764 = arith.constant 0 : i32
    %dma_start3A_765 = tpu.memref_slice %arg8[%dma_start3A_751, %dma_start3A_763, %dma_start3A_764] : memref<5x128x128xf32, #tpu.memory_space<vmem>> -> memref<1x128x128xf32, #tpu.memory_space<vmem>>
    %dma_start3A_766 = tpu.memref_squeeze %dma_start3A_765 : memref<1x128x128xf32, #tpu.memory_space<vmem>> -> memref<128x128xf32, #tpu.memory_space<vmem>>
    tpu.enqueue_dma source(%dma_start3A_766 : memref<128x128xf32, #tpu.memory_space<vmem>>) target(%dma_start3A_762 : memref<128x128xf32, #tpu.memory_space<hbm>>) target_semaphore(%arg18 : memref<!tpu.dma_semaphore, #tpu.memory_space<semaphore_mem>>)
    %dma_wait3A_767 = arith.constant 3 : i32
    %dma_wait3A_768 = arith.constant 2 : i32
    %dma_wait3A_769 = arith.constant 0 : i32
    %dma_wait3A_770 = arith.constant 0 : i32
    %dma_wait3A_771 = tpu.memref_slice %arg8[%dma_wait3A_768, %dma_wait3A_769, %dma_wait3A_770] : memref<5x128x128xf32, #tpu.memory_space<vmem>> -> memref<1x128x128xf32, #tpu.memory_space<vmem>>
    %dma_wait3A_772 = tpu.memref_squeeze %dma_wait3A_771 : memref<1x128x128xf32, #tpu.memory_space<vmem>> -> memref<128x128xf32, #tpu.memory_space<vmem>>
    %dma_wait3A_773 = arith.constant 128 : i32
    %dma_wait3A_774 = tpu.memref_slice %arg6[%dma_wait3A_767, %dma_wait3A_773] : memref<4x256xi32, #tpu.memory_space<vmem>> -> memref<1x128xi32, #tpu.memory_space<vmem>>
    %dma_wait3A_775 = tpu.memref_squeeze %dma_wait3A_774 : memref<1x128xi32, #tpu.memory_space<vmem>> -> memref<128xi32, #tpu.memory_space<vmem>>
    %dma_wait3A_776 = arith.constant 0 : i32
    %dma_wait3A_777 = arith.constant 0 : i32
    %dma_wait3A_778 = tpu.memref_slice %arg3[%dma_wait3A_776, %dma_wait3A_777] : memref<100000x128xf32, #tpu.memory_space<hbm>> -> memref<100000x128xf32, #tpu.memory_space<hbm>>
    tpu.wait_indirect_dma semaphore(%arg14 : memref<!tpu.dma_semaphore, #tpu.memory_space<semaphore_mem>>) src(%dma_wait3A_778 : memref<100000x128xf32, #tpu.memory_space<hbm>>) dst(%dma_wait3A_772 : memref<128x128xf32, #tpu.memory_space<vmem>>)
    %add3A_779 = arith.constant 128 : i32
    %add3A_780 = arith.addi %mul3A_2, %add3A_779 : i32
    %dma_start3A_781 = arith.constant 2 : i32
    %dma_start3A_782 = arith.constant 3 : i32
    %dma_start3A_783 = arith.constant 0 : i32
    %dma_start3A_784 = arith.constant 0 : i32
    %dma_start3A_785 = tpu.memref_slice %arg8[%dma_start3A_781, %dma_start3A_783, %dma_start3A_784] : memref<5x128x128xf32, #tpu.memory_space<vmem>> -> memref<1x128x128xf32, #tpu.memory_space<vmem>>
    %dma_start3A_786 = tpu.memref_squeeze %dma_start3A_785 : memref<1x128x128xf32, #tpu.memory_space<vmem>> -> memref<128x128xf32, #tpu.memory_space<vmem>>
    %dma_start3A_787 = arith.constant 0 : i32
    %dma_start3A_788 = tpu.memref_slice %arg5[%dma_start3A_782, %add3A_780, %dma_start3A_787] : memref<4x8192x128xf32, #tpu.memory_space<hbm>> -> memref<1x128x128xf32, #tpu.memory_space<hbm>>
    %dma_start3A_789 = tpu.memref_squeeze %dma_start3A_788 : memref<1x128x128xf32, #tpu.memory_space<hbm>> -> memref<128x128xf32, #tpu.memory_space<hbm>>
    %dma_start3A_790 = arith.constant 0 : i32
    %dma_start3A_791 = tpu.memref_slice %arg5[%dma_start3A_782, %add3A_780, %dma_start3A_790] : memref<4x8192x128xf32, #tpu.memory_space<hbm>> -> memref<1x128x128xf32, #tpu.memory_space<hbm>>
    %dma_start3A_792 = tpu.memref_squeeze %dma_start3A_791 : memref<1x128x128xf32, #tpu.memory_space<hbm>> -> memref<128x128xf32, #tpu.memory_space<hbm>>
    %dma_start3A_793 = arith.constant 0 : i32
    %dma_start3A_794 = arith.constant 0 : i32
    %dma_start3A_795 = tpu.memref_slice %arg8[%dma_start3A_781, %dma_start3A_793, %dma_start3A_794] : memref<5x128x128xf32, #tpu.memory_space<vmem>> -> memref<1x128x128xf32, #tpu.memory_space<vmem>>
    %dma_start3A_796 = tpu.memref_squeeze %dma_start3A_795 : memref<1x128x128xf32, #tpu.memory_space<vmem>> -> memref<128x128xf32, #tpu.memory_space<vmem>>
    tpu.enqueue_dma source(%dma_start3A_796 : memref<128x128xf32, #tpu.memory_space<vmem>>) target(%dma_start3A_792 : memref<128x128xf32, #tpu.memory_space<hbm>>) target_semaphore(%arg19 : memref<!tpu.dma_semaphore, #tpu.memory_space<semaphore_mem>>)
    %dma_wait3A_797 = arith.constant 3 : i32
    %dma_wait3A_798 = arith.constant 1 : i32
    %dma_wait3A_799 = arith.constant 0 : i32
    %dma_wait3A_800 = arith.constant 0 : i32
    %dma_wait3A_801 = tpu.memref_slice %arg8[%dma_wait3A_797, %dma_wait3A_799, %dma_wait3A_800] : memref<5x128x128xf32, #tpu.memory_space<vmem>> -> memref<1x128x128xf32, #tpu.memory_space<vmem>>
    %dma_wait3A_802 = tpu.memref_squeeze %dma_wait3A_801 : memref<1x128x128xf32, #tpu.memory_space<vmem>> -> memref<128x128xf32, #tpu.memory_space<vmem>>
    %dma_wait3A_803 = arith.constant 0 : i32
    %dma_wait3A_804 = tpu.memref_slice %arg5[%dma_wait3A_798, %add3A_598, %dma_wait3A_803] : memref<4x8192x128xf32, #tpu.memory_space<hbm>> -> memref<1x128x128xf32, #tpu.memory_space<hbm>>
    %dma_wait3A_805 = tpu.memref_squeeze %dma_wait3A_804 : memref<1x128x128xf32, #tpu.memory_space<hbm>> -> memref<128x128xf32, #tpu.memory_space<hbm>>
    %dma_wait3A_806 = arith.constant 0 : i32
    %dma_wait3A_807 = tpu.memref_slice %arg5[%dma_wait3A_798, %add3A_598, %dma_wait3A_806] : memref<4x8192x128xf32, #tpu.memory_space<hbm>> -> memref<1x128x128xf32, #tpu.memory_space<hbm>>
    %dma_wait3A_808 = tpu.memref_squeeze %dma_wait3A_807 : memref<1x128x128xf32, #tpu.memory_space<hbm>> -> memref<128x128xf32, #tpu.memory_space<hbm>>
    %dma_wait3A_809 = arith.constant 0 : i32
    %dma_wait3A_810 = arith.constant 0 : i32
    %dma_wait3A_811 = tpu.memref_slice %arg8[%dma_wait3A_797, %dma_wait3A_809, %dma_wait3A_810] : memref<5x128x128xf32, #tpu.memory_space<vmem>> -> memref<1x128x128xf32, #tpu.memory_space<vmem>>
    %dma_wait3A_812 = tpu.memref_squeeze %dma_wait3A_811 : memref<1x128x128xf32, #tpu.memory_space<vmem>> -> memref<128x128xf32, #tpu.memory_space<vmem>>
    tpu.wait_dma2 semaphore(%arg20 : memref<!tpu.dma_semaphore, #tpu.memory_space<semaphore_mem>>) src(%dma_wait3A_812 : memref<128x128xf32, #tpu.memory_space<vmem>>) dst(%dma_wait3A_808 : memref<128x128xf32, #tpu.memory_space<hbm>>)
    %dma_wait3A_813 = arith.constant 4 : i32
    %dma_wait3A_814 = arith.constant 2 : i32
    %dma_wait3A_815 = arith.constant 0 : i32
    %dma_wait3A_816 = arith.constant 0 : i32
    %dma_wait3A_817 = tpu.memref_slice %arg8[%dma_wait3A_813, %dma_wait3A_815, %dma_wait3A_816] : memref<5x128x128xf32, #tpu.memory_space<vmem>> -> memref<1x128x128xf32, #tpu.memory_space<vmem>>
    %dma_wait3A_818 = tpu.memref_squeeze %dma_wait3A_817 : memref<1x128x128xf32, #tpu.memory_space<vmem>> -> memref<128x128xf32, #tpu.memory_space<vmem>>
    %dma_wait3A_819 = arith.constant 0 : i32
    %dma_wait3A_820 = tpu.memref_slice %arg5[%dma_wait3A_814, %add3A_659, %dma_wait3A_819] : memref<4x8192x128xf32, #tpu.memory_space<hbm>> -> memref<1x128x128xf32, #tpu.memory_space<hbm>>
    %dma_wait3A_821 = tpu.memref_squeeze %dma_wait3A_820 : memref<1x128x128xf32, #tpu.memory_space<hbm>> -> memref<128x128xf32, #tpu.memory_space<hbm>>
    %dma_wait3A_822 = arith.constant 0 : i32
    %dma_wait3A_823 = tpu.memref_slice %arg5[%dma_wait3A_814, %add3A_659, %dma_wait3A_822] : memref<4x8192x128xf32, #tpu.memory_space<hbm>> -> memref<1x128x128xf32, #tpu.memory_space<hbm>>
    %dma_wait3A_824 = tpu.memref_squeeze %dma_wait3A_823 : memref<1x128x128xf32, #tpu.memory_space<hbm>> -> memref<128x128xf32, #tpu.memory_space<hbm>>
    %dma_wait3A_825 = arith.constant 0 : i32
    %dma_wait3A_826 = arith.constant 0 : i32
    %dma_wait3A_827 = tpu.memref_slice %arg8[%dma_wait3A_813, %dma_wait3A_825, %dma_wait3A_826] : memref<5x128x128xf32, #tpu.memory_space<vmem>> -> memref<1x128x128xf32, #tpu.memory_space<vmem>>
    %dma_wait3A_828 = tpu.memref_squeeze %dma_wait3A_827 : memref<1x128x128xf32, #tpu.memory_space<vmem>> -> memref<128x128xf32, #tpu.memory_space<vmem>>
    tpu.wait_dma2 semaphore(%arg21 : memref<!tpu.dma_semaphore, #tpu.memory_space<semaphore_mem>>) src(%dma_wait3A_828 : memref<128x128xf32, #tpu.memory_space<vmem>>) dst(%dma_wait3A_824 : memref<128x128xf32, #tpu.memory_space<hbm>>)
    %dma_wait3A_829 = arith.constant 0 : i32
    %dma_wait3A_830 = arith.constant 2 : i32
    %dma_wait3A_831 = arith.constant 0 : i32
    %dma_wait3A_832 = arith.constant 0 : i32
    %dma_wait3A_833 = tpu.memref_slice %arg8[%dma_wait3A_829, %dma_wait3A_831, %dma_wait3A_832] : memref<5x128x128xf32, #tpu.memory_space<vmem>> -> memref<1x128x128xf32, #tpu.memory_space<vmem>>
    %dma_wait3A_834 = tpu.memref_squeeze %dma_wait3A_833 : memref<1x128x128xf32, #tpu.memory_space<vmem>> -> memref<128x128xf32, #tpu.memory_space<vmem>>
    %dma_wait3A_835 = arith.constant 0 : i32
    %dma_wait3A_836 = tpu.memref_slice %arg5[%dma_wait3A_830, %add3A_720, %dma_wait3A_835] : memref<4x8192x128xf32, #tpu.memory_space<hbm>> -> memref<1x128x128xf32, #tpu.memory_space<hbm>>
    %dma_wait3A_837 = tpu.memref_squeeze %dma_wait3A_836 : memref<1x128x128xf32, #tpu.memory_space<hbm>> -> memref<128x128xf32, #tpu.memory_space<hbm>>
    %dma_wait3A_838 = arith.constant 0 : i32
    %dma_wait3A_839 = tpu.memref_slice %arg5[%dma_wait3A_830, %add3A_720, %dma_wait3A_838] : memref<4x8192x128xf32, #tpu.memory_space<hbm>> -> memref<1x128x128xf32, #tpu.memory_space<hbm>>
    %dma_wait3A_840 = tpu.memref_squeeze %dma_wait3A_839 : memref<1x128x128xf32, #tpu.memory_space<hbm>> -> memref<128x128xf32, #tpu.memory_space<hbm>>
    %dma_wait3A_841 = arith.constant 0 : i32
    %dma_wait3A_842 = arith.constant 0 : i32
    %dma_wait3A_843 = tpu.memref_slice %arg8[%dma_wait3A_829, %dma_wait3A_841, %dma_wait3A_842] : memref<5x128x128xf32, #tpu.memory_space<vmem>> -> memref<1x128x128xf32, #tpu.memory_space<vmem>>
    %dma_wait3A_844 = tpu.memref_squeeze %dma_wait3A_843 : memref<1x128x128xf32, #tpu.memory_space<vmem>> -> memref<128x128xf32, #tpu.memory_space<vmem>>
    tpu.wait_dma2 semaphore(%arg17 : memref<!tpu.dma_semaphore, #tpu.memory_space<semaphore_mem>>) src(%dma_wait3A_844 : memref<128x128xf32, #tpu.memory_space<vmem>>) dst(%dma_wait3A_840 : memref<128x128xf32, #tpu.memory_space<hbm>>)
    %dma_wait3A_845 = arith.constant 1 : i32
    %dma_wait3A_846 = arith.constant 3 : i32
    %dma_wait3A_847 = arith.constant 0 : i32
    %dma_wait3A_848 = arith.constant 0 : i32
    %dma_wait3A_849 = tpu.memref_slice %arg8[%dma_wait3A_845, %dma_wait3A_847, %dma_wait3A_848] : memref<5x128x128xf32, #tpu.memory_space<vmem>> -> memref<1x128x128xf32, #tpu.memory_space<vmem>>
    %dma_wait3A_850 = tpu.memref_squeeze %dma_wait3A_849 : memref<1x128x128xf32, #tpu.memory_space<vmem>> -> memref<128x128xf32, #tpu.memory_space<vmem>>
    %dma_wait3A_851 = arith.constant 0 : i32
    %dma_wait3A_852 = tpu.memref_slice %arg5[%dma_wait3A_846, %add3A_750, %dma_wait3A_851] : memref<4x8192x128xf32, #tpu.memory_space<hbm>> -> memref<1x128x128xf32, #tpu.memory_space<hbm>>
    %dma_wait3A_853 = tpu.memref_squeeze %dma_wait3A_852 : memref<1x128x128xf32, #tpu.memory_space<hbm>> -> memref<128x128xf32, #tpu.memory_space<hbm>>
    %dma_wait3A_854 = arith.constant 0 : i32
    %dma_wait3A_855 = tpu.memref_slice %arg5[%dma_wait3A_846, %add3A_750, %dma_wait3A_854] : memref<4x8192x128xf32, #tpu.memory_space<hbm>> -> memref<1x128x128xf32, #tpu.memory_space<hbm>>
    %dma_wait3A_856 = tpu.memref_squeeze %dma_wait3A_855 : memref<1x128x128xf32, #tpu.memory_space<hbm>> -> memref<128x128xf32, #tpu.memory_space<hbm>>
    %dma_wait3A_857 = arith.constant 0 : i32
    %dma_wait3A_858 = arith.constant 0 : i32
    %dma_wait3A_859 = tpu.memref_slice %arg8[%dma_wait3A_845, %dma_wait3A_857, %dma_wait3A_858] : memref<5x128x128xf32, #tpu.memory_space<vmem>> -> memref<1x128x128xf32, #tpu.memory_space<vmem>>
    %dma_wait3A_860 = tpu.memref_squeeze %dma_wait3A_859 : memref<1x128x128xf32, #tpu.memory_space<vmem>> -> memref<128x128xf32, #tpu.memory_space<vmem>>
    tpu.wait_dma2 semaphore(%arg18 : memref<!tpu.dma_semaphore, #tpu.memory_space<semaphore_mem>>) src(%dma_wait3A_860 : memref<128x128xf32, #tpu.memory_space<vmem>>) dst(%dma_wait3A_856 : memref<128x128xf32, #tpu.memory_space<hbm>>)
    %dma_wait3A_861 = arith.constant 2 : i32
    %dma_wait3A_862 = arith.constant 3 : i32
    %dma_wait3A_863 = arith.constant 0 : i32
    %dma_wait3A_864 = arith.constant 0 : i32
    %dma_wait3A_865 = tpu.memref_slice %arg8[%dma_wait3A_861, %dma_wait3A_863, %dma_wait3A_864] : memref<5x128x128xf32, #tpu.memory_space<vmem>> -> memref<1x128x128xf32, #tpu.memory_space<vmem>>
    %dma_wait3A_866 = tpu.memref_squeeze %dma_wait3A_865 : memref<1x128x128xf32, #tpu.memory_space<vmem>> -> memref<128x128xf32, #tpu.memory_space<vmem>>
    %dma_wait3A_867 = arith.constant 0 : i32
    %dma_wait3A_868 = tpu.memref_slice %arg5[%dma_wait3A_862, %add3A_780, %dma_wait3A_867] : memref<4x8192x128xf32, #tpu.memory_space<hbm>> -> memref<1x128x128xf32, #tpu.memory_space<hbm>>
    %dma_wait3A_869 = tpu.memref_squeeze %dma_wait3A_868 : memref<1x128x128xf32, #tpu.memory_space<hbm>> -> memref<128x128xf32, #tpu.memory_space<hbm>>
    %dma_wait3A_870 = arith.constant 0 : i32
    %dma_wait3A_871 = tpu.memref_slice %arg5[%dma_wait3A_862, %add3A_780, %dma_wait3A_870] : memref<4x8192x128xf32, #tpu.memory_space<hbm>> -> memref<1x128x128xf32, #tpu.memory_space<hbm>>
    %dma_wait3A_872 = tpu.memref_squeeze %dma_wait3A_871 : memref<1x128x128xf32, #tpu.memory_space<hbm>> -> memref<128x128xf32, #tpu.memory_space<hbm>>
    %dma_wait3A_873 = arith.constant 0 : i32
    %dma_wait3A_874 = arith.constant 0 : i32
    %dma_wait3A_875 = tpu.memref_slice %arg8[%dma_wait3A_861, %dma_wait3A_873, %dma_wait3A_874] : memref<5x128x128xf32, #tpu.memory_space<vmem>> -> memref<1x128x128xf32, #tpu.memory_space<vmem>>
    %dma_wait3A_876 = tpu.memref_squeeze %dma_wait3A_875 : memref<1x128x128xf32, #tpu.memory_space<vmem>> -> memref<128x128xf32, #tpu.memory_space<vmem>>
    tpu.wait_dma2 semaphore(%arg19 : memref<!tpu.dma_semaphore, #tpu.memory_space<semaphore_mem>>) src(%dma_wait3A_876 : memref<128x128xf32, #tpu.memory_space<vmem>>) dst(%dma_wait3A_872 : memref<128x128xf32, #tpu.memory_space<hbm>>)
    return
  }
}

</mosaic_0001>

<sc_bundles>
// kernel: kernel.3.cloned.1.call-start
scs
__scs_entry_jumppad:
0x0: {  	(pc) =	sbr.rel $0x88, $3  }
0x1: {  	(tag) =	ssettag $0x0;
	lr =	simm.s32 $0x1  }
0x2: {  	[smem:$0x3F9E] =	sst lr;
	_ =	strace $0xD0000000  }
0x3: {  	_ = 	snop  }
0x4: {  	_ = 	snop  }
0x5: {  	_ = 	snop  }
0x6: {  	_ = 	snop  }
0x7: {  	_ = 	snop  }
__scs_overlays_trampoline_lowered:
0x8: {  	[smem:$0x3FAD] =	sst s0  }
0x9: {  	[smem:$0x3FAE] =	sst s1  }
0xa: {  	[smem:$0x3FAF] =	sst s2  }
0xb: {  	[smem:$0x3FB0] =	sst s3  }
0xc: {  	[smem:$0x3FB1] =	sst s4  }
0xd: {  	[smem:$0x3FB2] =	sst s5  }
0xe: {  	[smem:$0x3FB3] =	sst s6  }
0xf: {  	[smem:$0x3FB4] =	sst s7  }
0x10: {  	[smem:$0x3FB5] =	sst s8  }
0x11: {  	[smem:$0x3FB6] =	sst s9;
	s0 =	simm.s32 @!p0 $0x0  }
0x12: {  	s1 =	sld [smem:$0x3F9C];
	s0 =	simm.s32 @p0 $0x1  }
0x13: {  	[smem:$0x3FB7] =	sst s0;
	s0 =	simm.s32 @!p1 $0x0  }
0x14: {  	s2 =	sld [smem:$0x3F9B];
	s0 =	simm.s32 @p1 $0x1  }
0x15: {  	[smem:$0x3FB8] =	sst s0;
	s0 =	simm.s32 @!p2 $0x0  }
0x16: {  	s3 =	sld [smem:$0x3FDB];
	s0 =	simm.s32 @p2 $0x1  }
0x17: {  	s4 =	simm.s32 $0x1BF5;
	[smem:$0x3FBA] =	sst s0  }
0x18: {  	s0 =	sld [smem:$0x3F9D];
	_ =	swait.ge [sflag:s4], $0x0  }
0x19: {  	s7 =	sld [smem:$0x3F9E]  }
0x1a: {  	s8 =	sadd.s32 $0xFFFFE003, lr  }
0x1b: {  	s9 =	sadd.s32 $0xFFFFFEF7, lr;
	s5 =	simm.s32 $0xFFFFFFFF;
	p2 =	slt.u32 s8, $0xFFFFF086  }
0x1c: {  	p1 =	slt.u32 s9, $0xF7A;
	s5 =	simm.s32 @!p2 $0x0  }
0x1d: {  	s5 =	simm.s32 @p1 $0x1;
	p0 =	seq.s32 s7, s2  }
0x1e: {  	s7 =	smul.u32 @!p0 $0xF7A, s2;
	p2 =	seq.s32 @!p0 s5, $0x0  }
0x1f: {  	s9 =	smul.u32 $0xF7A, s1;
	s8 =	simm.s32 @!p0 $0x1BF5;
	p2 =	por !p2, p0  }
0x20: {  	[sflag:s8] =	ssyncset.s32 @!p0 $0xFFFFF086;
	s6 =	sadd.s32 @!p0 s3, s7;
	s7 =	simm.s32 @!p0 $0x108  }
0x21: {  	s3 =	sadd.s32 s3, s9;
	s6 =	sadd.s32 @!p0 $0x88, s6;
	s7 =	simm.s32 @p2 $0x1082  }
0x22: {  	[simem:s7], [sflag:s8] =	dma.local @!p0 [hbm:s6], $0xF7A  }
0x23: {  	s9 =	sor.u32 $0xD0000000, s2;
	s6 =	simm.s32 $0x108;
	_ =	swait.ge @!p0 [sflag:s8], $0x0  }
0x24: {  	s3 =	sadd.s32 $0x88, s3;
	s6 =	simm.s32 @!p1 $0x1082;
	[sflag:s4] =	ssyncset.s32 $0xFFFFF086  }
0x25: {  	[simem:s6], [sflag:s4] =	dma.local [hbm:s3], $0xF7A  }
0x26: {  	[smem:$0x3F9E] =	sst s1;
	(tag) =	ssettag s2;
	_ =	strace s9  }
0x27: {  	s1 =	sld [smem:$0x3FAE]  }
0x28: {  	s2 =	sld [smem:$0x3FAF]  }
0x29: {  	s4 =	sld [smem:$0x3FB1]  }
0x2a: {  	p0 =	seq.s32 s5, $0x0;
	s5 =	sld [smem:$0x3FB2]  }
0x2b: {  	s6 =	sld [smem:$0x3FB3]  }
0x2c: {  	s7 =	sld [smem:$0x3FB4]  }
0x2d: {  	s3 =	simm.s32 $0x108;
	s8 =	sld [smem:$0x3FB5]  }
0x2e: {  	s3 =	simm.s32 @!p0 $0x1082;
	s9 =	sld [smem:$0x3FB6]  }
0x2f: {  	lr =	sadd.s32 s0, s3;
	s0 =	sld [smem:$0x3FAD]  }
0x30: {  	s3 =	sld [smem:$0x3FB0]  }
0x31: {  	[smem:$0x3FB9] =	sst s10  }
0x32: {  	s10 =	sld [smem:$0x3FB7];
	_ =	sdelay $0x3  }
0x33: {  	p0 =	seq.s32 s10, $0x1;
	s10 =	sld [smem:$0x3FB9];
	_ =	sdelay $0x3  }
0x34: {  	[smem:$0x3FB9] =	sst s10  }
0x35: {  	s10 =	sld [smem:$0x3FB8];
	_ =	sdelay $0x3  }
0x36: {  	p1 =	seq.s32 s10, $0x1;
	s10 =	sld [smem:$0x3FB9];
	_ =	sdelay $0x3  }
0x37: {  	[smem:$0x3FB9] =	sst s10  }
0x38: {  	s10 =	sld [smem:$0x3FBA]  }
0x39: {  	_ = 	snop;
	(pc) =	sbr.ind lr, $3  }
0x3a: {  	_ = 	snop  }
0x3b: {  	_ = 	snop  }
0x3c: {  	p2 =	seq.s32 s10, $0x1;
	s10 =	sld [smem:$0x3FB9]  }
0x3d: {  	_ =	shalt  }
0x3e: {  	_ =	shalt  }
0x3f: {  	_ =	shalt  }
0x40: {  	_ =	shalt  }
0x41: {  	_ =	shalt  }
0x42: {  	_ =	shalt  }
0x43: {  	_ =	shalt  }
0x44: {  	_ =	shalt  }
0x45: {  	_ =	shalt  }
0x46: {  	_ =	shalt  }
0x47: {  	_ =	shalt  }
0x48: {  	_ =	shalt  }
0x49: {  	_ =	shalt  }
0x4a: {  	_ =	shalt  }
0x4b: {  	_ =	shalt  }
0x4c: {  	_ =	shalt  }
0x4d: {  	_ =	shalt  }
0x4e: {  	_ =	shalt  }
0x4f: {  	_ =	shalt  }
0x50: {  	_ =	shalt  }
0x51: {  	_ =	shalt  }
0x52: {  	_ =	shalt  }
0x53: {  	_ =	shalt  }
0x54: {  	_ =	shalt  }
0x55: {  	_ =	shalt  }
0x56: {  	_ =	shalt  }
0x57: {  	_ =	shalt  }
0x58: {  	_ =	shalt  }
0x59: {  	_ =	shalt  }
0x5a: {  	_ =	shalt  }
0x5b: {  	_ =	shalt  }
0x5c: {  	_ =	shalt  }
0x5d: {  	_ =	shalt  }
0x5e: {  	_ =	shalt  }
0x5f: {  	_ =	shalt  }
0x60: {  	_ =	shalt  }
0x61: {  	_ =	shalt  }
0x62: {  	_ =	shalt  }
0x63: {  	_ =	shalt  }
0x64: {  	_ =	shalt  }
0x65: {  	_ =	shalt  }
0x66: {  	_ =	shalt  }
0x67: {  	_ =	shalt  }
0x68: {  	_ =	shalt  }
0x69: {  	_ =	shalt  }
0x6a: {  	_ =	shalt  }
0x6b: {  	_ =	shalt  }
0x6c: {  	_ =	shalt  }
0x6d: {  	_ =	shalt  }
0x6e: {  	_ =	shalt  }
0x6f: {  	_ =	shalt  }
0x70: {  	_ =	shalt  }
0x71: {  	_ =	shalt  }
0x72: {  	_ =	shalt  }
0x73: {  	_ =	shalt  }
0x74: {  	_ =	shalt  }
0x75: {  	_ =	shalt  }
0x76: {  	_ =	shalt  }
0x77: {  	_ =	shalt  }
0x78: {  	_ =	shalt  }
0x79: {  	_ =	shalt  }
0x7a: {  	_ =	shalt  }
0x7b: {  	_ =	shalt  }
0x7c: {  	_ =	shalt  }
0x7d: {  	_ =	shalt  }
0x7e: {  	_ =	shalt  }
0x7f: {  	_ =	shalt  }
0x80: {  	_ =	shalt  }
0x81: {  	_ =	shalt  }
0x82: {  	_ =	shalt  }
0x83: {  	_ =	shalt  }
0x84: {  	_ =	shalt  }
0x85: {  	_ =	shalt  }
0x86: {  	_ =	shalt  }
0x87: {  	_ =	shalt  }
.Lfunc_end0:
.L_simem_size_0:
called_computation_lowered:
.L_overlay_start_0:
0x88: {  	s2 =	sld [smem:$0x3FD9]  }
0x89: {  	s3 =	sld [smem:$0x3FFE];
	_ =	sdelay $0x1  }
0x8a: {  	s1 =	srdreg.scid  }
0x8b: {  	s0 =	sand.u32 $0x1, s1  }
0x8c: {  	s18 =	sshll.u32 s0, $0xA;
	s2 =	sadd.s32 s3, s2  }
0x8d: {  	s2 =	sadd.s32 s2, s18  }
0x8e: {  	[smem:$0x3FC5] =	sst s2  }
0x8f: {  	_ = 	snop  }
0x90: {  	s2 =	sld [smem:$0x3FC9]  }
0x91: {  	s19 =	sld [smem:$0x3FC8]  }
0x92: {  	s4 =	sld [smem:$0x3FC7]  }
0x93: {  	s5 =	sld [smem:$0x3FD0];
	(tm) =	ssettm $0x1  }
0x94: {  	s6 =	sld [smem:$0x3FFB];
	_ =	sdelay $0x3  }
0x95: {  	_ =	strace s6  }
0x96: {  	s6 =	sld [smem:$0x3FFC];
	_ =	sdelay $0x3  }
0x97: {  	_ =	strace s6  }
0x98: {  	s6 =	sld [smem:$0x3FFD];
	_ =	sdelay $0x3  }
0x99: {  	_ =	strace s6  }
0x9a: {  	_ =	strace $0x8FFFFFFF  }
0x9b: {  	s20 =	sld [smem:$0x3FDB];
	_ =	sdelay $0x1  }
0x9c: {  	s7 =	simm.s32 $_scs_section_size  }
0x9d: {  	s8 =	simm.s32 $_size__tile_overlayer_lowered;
	s9 =	simm.s32 $_tile_overlayer_lowered  }
0x9e: {  	s23 =	simm.s32 $0x1BFF;
	s22 =	sshll.u32 s9, $0x1;
	s6 =	sadd.s32 s7, s20  }
0x9f: {  	s10 =	simm.s32 $0x0;
	s21 =	sshll.u32 s8, $0x1;
	s8 =	sadd.s32 s22, s6  }
0xa0: {  	[timem:s10], [sflag:s23] =	dma.local [hbm:s8], s21  }
0xa1: {  	_ =	swait.ge [sflag:s23], s21  }
0xa2: {  	s7 =	ssub.s32 $0x0, s21;
	[sflag:s23] =	ssyncset.done $0x0  }
0xa3: {  	[sflag:s23] =	ssyncadd.s32 s7;
	_ =	sdelay $0x1  }
0xa4: {  	s24 =	simm.s32 $0x1B8B  }
0xa5: {  	_ =	swait.ge [sflag:s24], $0x1  }
0xa6: {  	[sflag:s24] =	ssyncset.done $0x0  }
0xa7: {  	s25 =	simm.s32 $0x1B8E;
	[sflag:s24] =	ssyncadd.s32 $0xFFFFFFFF  }
0xa8: {  	s26 =	simm.s32 $execute0_lowered;
	[smem:$0x3FD2] =	sst s25  }
0xa9: {  	s7 =	sshll.u32 s26, $0x1;
	_ =	strace $0x80000046;
	[dreg:$0x1] =	wrdreg $0xFFFFFFFF  }
0xaa: {  	s28 =	simm.s32 $_size_execute0_lowered;
	s6 =	sadd.s32 s6, s7;
	[dreg:$0x0] =	wrdreg $0x0  }
0xab: {  	s7 =	sshll.u32 s28, $0x1;
	[dreg:$0x2] =	wrdreg s6  }
0xac: {  	[dreg:$0x3] =	wrdreg s7  }
0xad: {  	[dreg:$0x4] =	wrdreg $0xC0  }
0xae: {  	_ =	task [dreg:s10], $0x5FFFF  }
0xaf: {  	[dreg:$0x1] =	wrdreg $0xFFFFFFFF  }
0xb0: {  	[dreg:$0x0] =	wrdreg $0x60  }
0xb1: {  	[dreg:$0x2] =	wrdreg s2  }
0xb2: {  	[dreg:$0x3] =	wrdreg s19  }
0xb3: {  	[dreg:$0x4] =	wrdreg s4  }
0xb4: {  	[dreg:$0x5] =	wrdreg s5  }
0xb5: {  	[dreg:$0x6] =	wrdreg $0x4000  }
0xb6: {  	[dreg:$0x7] =	wrdreg $0x9  }
0xb7: {  	_ =	task.clear_ibuf [dreg:s10], $0x8FFFF;
	_ =	strace $0x90000046  }
0xb8: {  	s29 =	simm.s32 $0x9;
	_ =	strace $0x80000048  }
0xb9: {  	_ =	swait.ge [sflag:s29], $0x1  }
0xba: {  	[sflag:s29] =	ssyncadd.s32 $0xFFFFFFFF  }
0xbb: {  	_ =	strace $0x90000048  }
0xbc: {  	_ =	sfence  }
0xbd: {  	s30 =	sld [smem:$0x0];
	_ =	sdelay $0x2  }
0xbe: {  	s31 =	sshll.u32 s1, $0xD;
	s1 =	sshrl.u32 s1, $0x2  }
0xbf: {  	s3 =	sand.u32 $0x4000, s31;
	s1 =	sadd.s32 s1, s30  }
0xc0: {  	s0 =	sor.u32 s3, s0;
	s1 =	sshll.u32 s1, $0x11  }
0xc1: {  	s0 =	sor.u32 s1, s0  }
0xc2: {  	s0 =	sadd.s32 $0x8F2B, s0  }
0xc3: {  	[sflag:s0] =	ssyncadd.remote.s32 $0x1  }
0xc4: {  	_ =	sfence.sel $0xFFFF  }
0xc5: {  	[dreg:$0x0] =	wrdreg $0xFFFFFFFF;
	(pc) =	sbr.abs _section_cstart, $3  }
0xc6: {  	[dreg:$0x1] =	wrdreg $0xFFFFFFFF  }
0xc7: {  	_ =	task.clear_ibuf [dreg:s10], $0x2FFFF;
	_ =	strace $0x9FFFFFFF  }
0xc8: {  	(tm) =	ssettm $0x7FFFFFFF  }
0xc9: {  	_ =	shalt  }
tec
execute0_lowered:
.L_overlay_start_1:
0x0: {  	(tag) =	ssettag $0x1  }
0x1: {  	s0 =	rddreg [dreg:$0x0]  }
0x2: {  	s1 =	rddreg [dreg:$0x1]  }
0x3: {  	s2 =	rddreg [dreg:$0x2]  }
0x4: {  	s3 =	srdreg.scid;
	s4 =	rddreg [dreg:$0x3]  }
0x5: {  	s9 =	stileid.u32;
	s5 =	rddreg [dreg:$0x4]  }
0x6: {  	s11 =	sand.u32 $0x1, s3;
	s6 =	sshll.u32 s9, $0x9;
	s3 =	simm.s32 $0x0  }
0x7: {  	s8 =	sshll.u32 s9, $0x6;
	s17 =	sshll.u32 s9, $0xF;
	s7 =	sshll.u32 s11, $0x8  }
0x8: {  	[smem:$0x7FF] =	sst s3;
	s10 =	sor.u32 $0x1C02, s8;
	s5 =	sadd.s32 s17, s5  }
0x9: {  	_ =	strace $0x80000047;
	[dreg:$0x7] =	wrdreg s10;
	s20 =	sshrl.u32 s5, $0x3  }
0xa: {  	s6 =	sor.u32 s7, s6;
	[dreg:$0xf] =	wrdreg s20  }
0xb: {  	s7 =	sshll.u32 s6, $0x4;
	s24 =	rddreg [dreg:$0x7]  }
0xc: {  	s2 =	sadd.s32 s2, s7;
	s7 =	sadd.s32 s4, s7;
	s22 =	rddreg [dreg:$0xf]  }
0xd: {  	[dreg:$0x6] =	wrdreg s2;
	s12 =	sadd.s32 $0x800, s7  }
0xe: {  	s13 =	sadd.s32 $0x20000, s7;
	[dreg:$0x8] =	wrdreg s12  }
0xf: {  	s14 =	sadd.s32 $0x20800, s7;
	[dreg:$0x9] =	wrdreg s13  }
0x10: {  	s15 =	sadd.s32 $0x40000, s7;
	[dreg:$0xa] =	wrdreg s14  }
0x11: {  	s16 =	sadd.s32 $0x40800, s7;
	[dreg:$0xb] =	wrdreg s15  }
0x12: {  	s18 =	sadd.s32 $0x60000, s7;
	[dreg:$0xc] =	wrdreg s16  }
0x13: {  	s21 =	sshrl.u32 s6, $0x1;
	s19 =	sadd.s32 $0x60800, s7;
	[dreg:$0xd] =	wrdreg s18  }
0x14: {  	s23 =	sadd.s32 s0, s21;
	[dreg:$0xe] =	wrdreg s19  }
0x15: {  	s10 =	sadd.s32 $0x10, s23;
	s2 =	sadd.s32 $0x40, s23;
	s25 =	rddreg [dreg:$0x6]  }
0x16: {  	[dreg:$0x10] =	wrdreg s2;
	s26 =	sadd.s32 $0x40, s10  }
0x17: {  	[dreg:$0x11] =	wrdreg s26  }
0x18: {  	[spmem:s22], [sflag:s24] =	dma.local [hbm:s25], $0x1000  }
0x19: {  	[dreg:$0x12] =	wrdreg s10  }
0x1a: {  	[tilespmem:s3], [sflag:$0x1] =	stream.linear.gather [hbm4b:s23+s3], $0x80, $0x38;
	[tilespmem:$0x1C400] =	vst v63  }
0x1b: {  	s6 =	simm.s32 $0x200;
	s14 =	sadd.s32 $0x20, s23;
	s0 =	rddreg [dreg:$0x10]  }
0x1c: {  	[tilespmem:s6], [sflag:$0x1] =	stream.linear.gather [hbm4b:s0+s3], $0x80, $0x38;
	[tilespmem:$0x1C400] =	vst v63  }
0x1d: {  	s9 =	simm.s32 $0x80;
	[dreg:$0x13] =	wrdreg s14  }
0x1e: {  	[tilespmem:s9], [sflag:$0x1] =	stream.linear.gather [hbm4b:s10+s3], $0x80, $0x38;
	[tilespmem:$0x1C400] =	vst v63  }
0x1f: {  	s13 =	simm.s32 $0x280;
	s12 =	rddreg [dreg:$0x11]  }
0x20: {  	[tilespmem:s13], [sflag:$0x1] =	stream.linear.gather [hbm4b:s12+s3], $0x80, $0x38;
	[tilespmem:$0x1C400] =	vst v63  }
0x21: {  	s17 =	sadd.s32 $0x30, s23;
	s15 =	simm.s32 $0x100;
	[dreg:$0x15] =	wrdreg s23  }
0x22: {  	[tilespmem:s15], [sflag:$0x1] =	stream.linear.gather [hbm4b:s14+s3], $0x80, $0x38;
	[tilespmem:$0x1C400] =	vst v63  }
0x23: {  	s16 =	simm.s32 $0x300;
	[dreg:$0x16] =	wrdreg s17;
	s0 =	sadd.s32 $0x40, s14  }
0x24: {  	[tilespmem:s16], [sflag:$0x1] =	stream.linear.gather [hbm4b:s0+s3], $0x80, $0x38;
	[tilespmem:$0x1C400] =	vst v63  }
0x25: {  	s19 =	simm.s32 $0x180;
	[dreg:$0x14] =	wrdreg s0;
	s0 =	sadd.s32 $0x40, s17  }
0x26: {  	[tilespmem:s19], [sflag:$0x1] =	stream.linear.gather [hbm4b:s17+s3], $0x80, $0x38;
	[tilespmem:$0x1C400] =	vst v63  }
0x27: {  	s18 =	simm.s32 $0x2;
	s12 =	simm.s32 $0x380;
	[dreg:$0x17] =	wrdreg s0  }
0x28: {  	[tilespmem:s12], [sflag:$0x1] =	stream.linear.gather [hbm4b:s0+s3], $0x80, $0x38;
	[tilespmem:$0x1C400] =	vst v63  }
0x29: {  	_ =	swait.ge [sflag:s18], $0x1000  }
0x2a: {  	[sflag:s18] =	ssyncset.done $0x0  }
0x2b: {  	s20 =	simm.s32 $0x8400;
	[sflag:s18] =	ssyncadd.s32 $0xFFFFF000  }
0x2c: {  	[tilespmem:s20], [sflag:$0x3] =	stream.linear.gather [spmem:s5], $0x4000, $0x38;
	[tilespmem:$0x1C400] =	vst v63  }
0x2d: {  	s21 =	sadd.s32 $0x4000, s5;
	s22 =	simm.s32 $0xC400;
	s23 =	simm.s32 $0x1  }
0x2e: {  	[tilespmem:s22], [sflag:$0x3] =	stream.linear.gather [spmem:s21], $0x4000, $0x38;
	[tilespmem:$0x1C400] =	vst v63  }
0x2f: {  	_ =	swait.ge [sflag:s23], $0x100  }
0x30: {  	[sflag:s23] =	ssyncset.done $0x0  }
0x31: {  	[sflag:s23] =	ssyncadd.s32 $0xFFFFFF00  }
0x32: {  	_ =	swait.ge [sflag:s23], $0x100  }
0x33: {  	[sflag:s23] =	ssyncset.done $0x0  }
0x34: {  	[sflag:s23] =	ssyncadd.s32 $0xFFFFFF00  }
0x35: {  	_ =	swait.ge [sflag:s23], $0x100  }
0x36: {  	[sflag:s23] =	ssyncset.done $0x0  }
0x37: {  	[sflag:s23] =	ssyncadd.s32 $0xFFFFFF00  }
0x38: {  	_ =	swait.ge [sflag:s23], $0x100  }
0x39: {  	[sflag:s23] =	ssyncset.done $0x0  }
0x3a: {  	s24 =	simm.s32 $0x3;
	[sflag:s23] =	ssyncadd.s32 $0xFFFFFF00  }
0x3b: {  	_ =	swait.ge [sflag:s24], $0x4000  }
0x3c: {  	[sflag:s24] =	ssyncset.done $0x0  }
0x3d: {  	[sflag:s24] =	ssyncadd.s32 $0xFFFFC000  }
0x3e: {  	[tilespmem:s20], [sflag:$0x4] =	stream.indirect.gather.add.f32 [hbm:s1], $0x80, s3, s9, $0xb8;
	[tilespmem:$0x1C400] =	vst v63  }
0x3f: {  	s25 =	simm.s32 $0x10400  }
0x40: {  	[tilespmem:s25], [sflag:$0x3] =	stream.linear.gather [spmem:s5], $0x4000, $0x38;
	[tilespmem:$0x1C400] =	vst v63  }
0x41: {  	_ =	swait.ge [sflag:s24], $0x4000  }
0x42: {  	[sflag:s24] =	ssyncset.done $0x0  }
0x43: {  	[sflag:s24] =	ssyncadd.s32 $0xFFFFC000  }
0x44: {  	[tilespmem:s22], [sflag:$0x5] =	stream.indirect.gather.add.f32 [hbm:s1], $0x80, s6, s9, $0xb8;
	[tilespmem:$0x1C400] =	vst v63  }
0x45: {  	s26 =	simm.s32 $0x14400  }
0x46: {  	[tilespmem:s26], [sflag:$0x3] =	stream.linear.gather [spmem:s21], $0x4000, $0x38;
	[tilespmem:$0x1C400] =	vst v63  }
0x47: {  	_ =	swait.ge [sflag:s24], $0x4000  }
0x48: {  	[sflag:s24] =	ssyncset.done $0x0  }
0x49: {  	[sflag:s24] =	ssyncadd.s32 $0xFFFFC000  }
0x4a: {  	[tilespmem:s25], [sflag:$0x6] =	stream.indirect.gather.add.f32 [hbm:s1], $0x80, s9, s9, $0xb8;
	[tilespmem:$0x1C400] =	vst v63  }
0x4b: {  	s28 =	simm.s32 $0x18400;
	s29 =	simm.s32 $0x4  }
0x4c: {  	[tilespmem:s28], [sflag:$0x3] =	stream.linear.gather [spmem:s5], $0x4000, $0x38;
	[tilespmem:$0x1C400] =	vst v63  }
0x4d: {  	_ =	swait.ge [sflag:s29], $0x4000  }
0x4e: {  	[sflag:s29] =	ssyncset.done $0x0  }
0x4f: {  	[dreg:$0x18] =	wrdreg s7;
	[sflag:s29] =	ssyncadd.s32 $0xFFFFC000  }
0x50: {  	[hbm4b:s7+s3] =	stream.linear.scatter [tilespmem:s20], [sflag:$0x9], $0x4000, $0x38;
	[tilespmem:$0x1C400] =	vst v63  }
0x51: {  	_ =	swait.ge [sflag:s24], $0x4000  }
0x52: {  	[sflag:s24] =	ssyncset.done $0x0  }
0x53: {  	s30 =	simm.s32 $0x9;
	[sflag:s24] =	ssyncadd.s32 $0xFFFFC000  }
0x54: {  	[tilespmem:s26], [sflag:$0x7] =	stream.indirect.gather.add.f32 [hbm:s1], $0x80, s13, s9, $0xb8;
	[tilespmem:$0x1C400] =	vst v63  }
0x55: {  	_ =	swait.ge [sflag:s30], $0x4000  }
0x56: {  	[sflag:s30] =	ssyncset.done $0x0  }
0x57: {  	s31 =	simm.s32 $0x5;
	[sflag:s30] =	ssyncadd.s32 $0xFFFFC000  }
0x58: {  	[tilespmem:s20], [sflag:$0x3] =	stream.linear.gather [spmem:s21], $0x4000, $0x38;
	[tilespmem:$0x1C400] =	vst v63  }
0x59: {  	_ =	swait.ge [sflag:s31], $0x4000  }
0x5a: {  	[sflag:s31] =	ssyncset.done $0x0  }
0x5b: {  	s4 =	rddreg [dreg:$0x8];
	[sflag:s31] =	ssyncadd.s32 $0xFFFFC000  }
0x5c: {  	[hbm4b:s4+s3] =	stream.linear.scatter [tilespmem:s22], [sflag:$0xA], $0x4000, $0x38;
	[tilespmem:$0x1C400] =	vst v63  }
0x5d: {  	_ =	swait.ge [sflag:s24], $0x4000  }
0x5e: {  	[sflag:s24] =	ssyncset.done $0x0  }
0x5f: {  	s2 =	simm.s32 $0xA;
	[sflag:s24] =	ssyncadd.s32 $0xFFFFC000  }
0x60: {  	[tilespmem:s28], [sflag:$0x8] =	stream.indirect.gather.add.f32 [hbm:s1], $0x80, s15, s9, $0xb8;
	[tilespmem:$0x1C400] =	vst v63  }
0x61: {  	_ =	swait.ge [sflag:s2], $0x4000  }
0x62: {  	[sflag:s2] =	ssyncset.done $0x0  }
0x63: {  	s0 =	simm.s32 $0x6;
	[sflag:s2] =	ssyncadd.s32 $0xFFFFC000  }
0x64: {  	[tilespmem:s22], [sflag:$0x3] =	stream.linear.gather [spmem:s5], $0x4000, $0x38;
	[tilespmem:$0x1C400] =	vst v63  }
0x65: {  	_ =	swait.ge [sflag:s0], $0x4000  }
0x66: {  	[sflag:s0] =	ssyncset.done $0x0  }
0x67: {  	s7 =	rddreg [dreg:$0x9];
	[sflag:s0] =	ssyncadd.s32 $0xFFFFC000  }
0x68: {  	[hbm4b:s7+s3] =	stream.linear.scatter [tilespmem:s25], [sflag:$0xB], $0x4000, $0x38;
	[tilespmem:$0x1C400] =	vst v63  }
0x69: {  	_ =	swait.ge [sflag:s24], $0x4000  }
0x6a: {  	[sflag:s24] =	ssyncset.done $0x0  }
0x6b: {  	s4 =	simm.s32 $0xB;
	[sflag:s24] =	ssyncadd.s32 $0xFFFFC000  }
0x6c: {  	[tilespmem:s20], [sflag:$0x4] =	stream.indirect.gather.add.f32 [hbm:s1], $0x80, s16, s9, $0xb8;
	[tilespmem:$0x1C400] =	vst v63  }
0x6d: {  	_ =	swait.ge [sflag:s4], $0x4000  }
0x6e: {  	[sflag:s4] =	ssyncset.done $0x0  }
0x6f: {  	s6 =	simm.s32 $0x7;
	[sflag:s4] =	ssyncadd.s32 $0xFFFFC000  }
0x70: {  	[tilespmem:s25], [sflag:$0x3] =	stream.linear.gather [spmem:s21], $0x4000, $0x38;
	[tilespmem:$0x1C400] =	vst v63  }
0x71: {  	_ =	swait.ge [sflag:s6], $0x4000  }
0x72: {  	[sflag:s6] =	ssyncset.done $0x0  }
0x73: {  	s13 =	rddreg [dreg:$0xa];
	[sflag:s6] =	ssyncadd.s32 $0xFFFFC000  }
0x74: {  	[hbm4b:s13+s3] =	stream.linear.scatter [tilespmem:s26], [sflag:$0xC], $0x4000, $0x38;
	[tilespmem:$0x1C400] =	vst v63  }
0x75: {  	_ =	swait.ge [sflag:s24], $0x4000  }
0x76: {  	[sflag:s24] =	ssyncset.done $0x0  }
0x77: {  	s7 =	simm.s32 $0x8;
	[sflag:s24] =	ssyncadd.s32 $0xFFFFC000  }
0x78: {  	[tilespmem:s22], [sflag:$0x5] =	stream.indirect.gather.add.f32 [hbm:s1], $0x80, s19, s9, $0xb8;
	[tilespmem:$0x1C400] =	vst v63  }
0x79: {  	_ =	swait.ge [sflag:s7], $0x4000  }
0x7a: {  	[sflag:s7] =	ssyncset.done $0x0  }
0x7b: {  	s14 =	rddreg [dreg:$0xb];
	[sflag:s7] =	ssyncadd.s32 $0xFFFFC000  }
0x7c: {  	[hbm4b:s14+s3] =	stream.linear.scatter [tilespmem:s28], [sflag:$0xD], $0x4000, $0x38;
	[tilespmem:$0x1C400] =	vst v63  }
0x7d: {  	_ =	swait.ge [sflag:s24], $0x4000  }
0x7e: {  	[sflag:s24] =	ssyncset.done $0x0  }
0x7f: {  	[sflag:s24] =	ssyncadd.s32 $0xFFFFC000  }
0x80: {  	[tilespmem:s25], [sflag:$0x6] =	stream.indirect.gather.add.f32 [hbm:s1], $0x80, s12, s9, $0xb8;
	[tilespmem:$0x1C400] =	vst v63  }
0x81: {  	_ =	swait.ge [sflag:s29], $0x4000  }
0x82: {  	[sflag:s29] =	ssyncset.done $0x0  }
0x83: {  	s15 =	rddreg [dreg:$0xc];
	[sflag:s29] =	ssyncadd.s32 $0xFFFFC000  }
0x84: {  	[hbm4b:s15+s3] =	stream.linear.scatter [tilespmem:s20], [sflag:$0x9], $0x4000, $0x38;
	[tilespmem:$0x1C400] =	vst v63  }
0x85: {  	_ =	swait.ge [sflag:s31], $0x4000  }
0x86: {  	[sflag:s31] =	ssyncset.done $0x0  }
0x87: {  	s16 =	rddreg [dreg:$0xd];
	[sflag:s31] =	ssyncadd.s32 $0xFFFFC000  }
0x88: {  	[hbm4b:s16+s3] =	stream.linear.scatter [tilespmem:s22], [sflag:$0xA], $0x4000, $0x38;
	[tilespmem:$0x1C400] =	vst v63  }
0x89: {  	_ =	swait.ge [sflag:s0], $0x4000  }
0x8a: {  	[sflag:s0] =	ssyncset.done $0x0  }
0x8b: {  	s8 =	simm.s32 $0xC;
	s17 =	rddreg [dreg:$0xe];
	[sflag:s0] =	ssyncadd.s32 $0xFFFFC000  }
0x8c: {  	[hbm4b:s17+s3] =	stream.linear.scatter [tilespmem:s25], [sflag:$0xB], $0x4000, $0x38;
	[tilespmem:$0x1C400] =	vst v63  }
0x8d: {  	_ =	swait.ge [sflag:s8], $0x4000  }
0x8e: {  	[sflag:s8] =	ssyncset.done $0x0  }
0x8f: {  	s10 =	simm.s32 $0xD;
	[sflag:s8] =	ssyncadd.s32 $0xFFFFC000  }
0x90: {  	s19 =	ssub.s32 $0x2, s11;
	_ =	swait.ge [sflag:s10], $0x4000  }
0x91: {  	s11 =	sshrl.u32 s19, $0x1;
	[sflag:s10] =	ssyncset.done $0x0  }
0x92: {  	s11 =	ssub.s32 s19, s11;
	[sflag:s10] =	ssyncadd.s32 $0xFFFFC000  }
0x93: {  	s11 =	smax.u32 s11, $0x1;
	_ =	swait.ge [sflag:s30], $0x4000  }
0x94: {  	p0 =	sne.s32 s11, $0x1;
	[sflag:s30] =	ssyncset.done $0x0  }
.Ltmp0:
0x95: {  	[sflag:s30] =	ssyncadd.s32 $0xFFFFC000;
	(pc) =	sbr.rel @!p0 .LBB2_3-.Ltmp0, $4  }
0x96: {  	_ =	swait.ge [sflag:s2], $0x4000  }
0x97: {  	[sflag:s2] =	ssyncset.done $0x0  }
0x98: {  	[sflag:s2] =	ssyncadd.s32 $0xFFFFC000  }
0x99: {  	s11 =	sadd.s32 $0xFFFFFFFF, s11;
	_ =	swait.ge [sflag:s4], $0x4000  }
0x9a: {  	s17 =	simm.s32 $0x100  }
.LBB2_2:
0x9b: {  	s12 =	rddreg [dreg:$0xf]  }
0x9c: {  	[sflag:s4] =	ssyncset.done $0x0;
	s13 =	rddreg [dreg:$0x7]  }
0x9d: {  	s14 =	rddreg [dreg:$0x6];
	[sflag:s4] =	ssyncadd.s32 $0xFFFFC000  }
0x9e: {  	[spmem:s12], [sflag:s13] =	dma.local [hbm:s14], $0x1000  }
0x9f: {  	s13 =	rddreg [dreg:$0x15]  }
0xa0: {  	[tilespmem:s3], [sflag:$0x1] =	stream.linear.gather [hbm4b:s13+s3], $0x80, $0x38;
	[tilespmem:$0x1C400] =	vst v63  }
0xa1: {  	s14 =	simm.s32 $0x200;
	s12 =	rddreg [dreg:$0x10]  }
0xa2: {  	[tilespmem:s14], [sflag:$0x1] =	stream.linear.gather [hbm4b:s12+s3], $0x80, $0x38;
	[tilespmem:$0x1C400] =	vst v63  }
0xa3: {  	s16 =	rddreg [dreg:$0x12]  }
0xa4: {  	[tilespmem:s9], [sflag:$0x1] =	stream.linear.gather [hbm4b:s16+s3], $0x80, $0x38;
	[tilespmem:$0x1C400] =	vst v63  }
0xa5: {  	s15 =	rddreg [dreg:$0x11];
	s12 =	simm.s32 $0x280  }
0xa6: {  	[tilespmem:s12], [sflag:$0x1] =	stream.linear.gather [hbm4b:s15+s3], $0x80, $0x38;
	[tilespmem:$0x1C400] =	vst v63  }
0xa7: {  	s19 =	rddreg [dreg:$0x13]  }
0xa8: {  	[tilespmem:s17], [sflag:$0x1] =	stream.linear.gather [hbm4b:s19+s3], $0x80, $0x38;
	[tilespmem:$0x1C400] =	vst v63  }
0xa9: {  	s13 =	simm.s32 $0x300;
	s16 =	rddreg [dreg:$0x14]  }
0xaa: {  	[tilespmem:s13], [sflag:$0x1] =	stream.linear.gather [hbm4b:s16+s3], $0x80, $0x38;
	[tilespmem:$0x1C400] =	vst v63  }
0xab: {  	s19 =	rddreg [dreg:$0x16];
	s16 =	simm.s32 $0x180  }
0xac: {  	[tilespmem:s16], [sflag:$0x1] =	stream.linear.gather [hbm4b:s19+s3], $0x80, $0x38;
	[tilespmem:$0x1C400] =	vst v63  }
0xad: {  	s15 =	rddreg [dreg:$0x17];
	s19 =	simm.s32 $0x380  }
0xae: {  	[tilespmem:s19], [sflag:$0x1] =	stream.linear.gather [hbm4b:s15+s3], $0x80, $0x38;
	[tilespmem:$0x1C400] =	vst v63  }
0xaf: {  	_ =	swait.ge [sflag:s18], $0x1000  }
0xb0: {  	[sflag:s18] =	ssyncset.done $0x0  }
0xb1: {  	[sflag:s18] =	ssyncadd.s32 $0xFFFFF000  }
0xb2: {  	[tilespmem:s20], [sflag:$0x3] =	stream.linear.gather [spmem:s5], $0x4000, $0x38;
	[tilespmem:$0x1C400] =	vst v63  }
0xb3: {  	_ = 	snop  }
0xb4: {  	[tilespmem:s22], [sflag:$0x3] =	stream.linear.gather [spmem:s21], $0x4000, $0x38;
	[tilespmem:$0x1C400] =	vst v63  }
0xb5: {  	_ =	swait.ge [sflag:s23], $0x100  }
0xb6: {  	[sflag:s23] =	ssyncset.done $0x0  }
0xb7: {  	[sflag:s23] =	ssyncadd.s32 $0xFFFFFF00  }
0xb8: {  	_ =	swait.ge [sflag:s23], $0x100  }
0xb9: {  	[sflag:s23] =	ssyncset.done $0x0  }
0xba: {  	[sflag:s23] =	ssyncadd.s32 $0xFFFFFF00  }
0xbb: {  	_ =	swait.ge [sflag:s23], $0x100  }
0xbc: {  	[sflag:s23] =	ssyncset.done $0x0  }
0xbd: {  	[sflag:s23] =	ssyncadd.s32 $0xFFFFFF00  }
0xbe: {  	_ =	swait.ge [sflag:s23], $0x100  }
0xbf: {  	[sflag:s23] =	ssyncset.done $0x0  }
0xc0: {  	[sflag:s23] =	ssyncadd.s32 $0xFFFFFF00  }
0xc1: {  	_ =	swait.ge [sflag:s24], $0x4000  }
0xc2: {  	[sflag:s24] =	ssyncset.done $0x0  }
0xc3: {  	[sflag:s24] =	ssyncadd.s32 $0xFFFFC000  }
0xc4: {  	[tilespmem:s20], [sflag:$0x4] =	stream.indirect.gather.add.f32 [hbm:s1], $0x80, s3, s9, $0xb8;
	[tilespmem:$0x1C400] =	vst v63  }
0xc5: {  	_ = 	snop  }
0xc6: {  	[tilespmem:s25], [sflag:$0x3] =	stream.linear.gather [spmem:s5], $0x4000, $0x38;
	[tilespmem:$0x1C400] =	vst v63  }
0xc7: {  	_ =	swait.ge [sflag:s24], $0x4000  }
0xc8: {  	[sflag:s24] =	ssyncset.done $0x0  }
0xc9: {  	[sflag:s24] =	ssyncadd.s32 $0xFFFFC000  }
0xca: {  	[tilespmem:s22], [sflag:$0x5] =	stream.indirect.gather.add.f32 [hbm:s1], $0x80, s14, s9, $0xb8;
	[tilespmem:$0x1C400] =	vst v63  }
0xcb: {  	_ = 	snop  }
0xcc: {  	[tilespmem:s26], [sflag:$0x3] =	stream.linear.gather [spmem:s21], $0x4000, $0x38;
	[tilespmem:$0x1C400] =	vst v63  }
0xcd: {  	_ =	swait.ge [sflag:s24], $0x4000  }
0xce: {  	[sflag:s24] =	ssyncset.done $0x0  }
0xcf: {  	[sflag:s24] =	ssyncadd.s32 $0xFFFFC000  }
0xd0: {  	[tilespmem:s25], [sflag:$0x6] =	stream.indirect.gather.add.f32 [hbm:s1], $0x80, s9, s9, $0xb8;
	[tilespmem:$0x1C400] =	vst v63  }
0xd1: {  	_ = 	snop  }
0xd2: {  	[tilespmem:s28], [sflag:$0x3] =	stream.linear.gather [spmem:s5], $0x4000, $0x38;
	[tilespmem:$0x1C400] =	vst v63  }
0xd3: {  	_ =	swait.ge [sflag:s29], $0x4000  }
0xd4: {  	[sflag:s29] =	ssyncset.done $0x0  }
0xd5: {  	s15 =	rddreg [dreg:$0x18];
	[sflag:s29] =	ssyncadd.s32 $0xFFFFC000  }
0xd6: {  	[hbm4b:s15+s3] =	stream.linear.scatter [tilespmem:s20], [sflag:$0x9], $0x4000, $0x38;
	[tilespmem:$0x1C400] =	vst v63  }
0xd7: {  	_ =	swait.ge [sflag:s24], $0x4000  }
0xd8: {  	[sflag:s24] =	ssyncset.done $0x0  }
0xd9: {  	[sflag:s24] =	ssyncadd.s32 $0xFFFFC000  }
0xda: {  	[tilespmem:s26], [sflag:$0x7] =	stream.indirect.gather.add.f32 [hbm:s1], $0x80, s12, s9, $0xb8;
	[tilespmem:$0x1C400] =	vst v63  }
0xdb: {  	_ =	swait.ge [sflag:s30], $0x4000  }
0xdc: {  	[sflag:s30] =	ssyncset.done $0x0  }
0xdd: {  	[sflag:s30] =	ssyncadd.s32 $0xFFFFC000  }
0xde: {  	[tilespmem:s20], [sflag:$0x3] =	stream.linear.gather [spmem:s21], $0x4000, $0x38;
	[tilespmem:$0x1C400] =	vst v63  }
0xdf: {  	_ =	swait.ge [sflag:s31], $0x4000  }
0xe0: {  	[sflag:s31] =	ssyncset.done $0x0  }
0xe1: {  	s14 =	rddreg [dreg:$0x8];
	[sflag:s31] =	ssyncadd.s32 $0xFFFFC000  }
0xe2: {  	[hbm4b:s14+s3] =	stream.linear.scatter [tilespmem:s22], [sflag:$0xA], $0x4000, $0x38;
	[tilespmem:$0x1C400] =	vst v63  }
0xe3: {  	_ =	swait.ge [sflag:s24], $0x4000  }
0xe4: {  	[sflag:s24] =	ssyncset.done $0x0  }
0xe5: {  	[sflag:s24] =	ssyncadd.s32 $0xFFFFC000  }
0xe6: {  	[tilespmem:s28], [sflag:$0x8] =	stream.indirect.gather.add.f32 [hbm:s1], $0x80, s17, s9, $0xb8;
	[tilespmem:$0x1C400] =	vst v63  }
0xe7: {  	_ =	swait.ge [sflag:s2], $0x4000  }
0xe8: {  	[sflag:s2] =	ssyncset.done $0x0  }
0xe9: {  	[sflag:s2] =	ssyncadd.s32 $0xFFFFC000  }
0xea: {  	[tilespmem:s22], [sflag:$0x3] =	stream.linear.gather [spmem:s5], $0x4000, $0x38;
	[tilespmem:$0x1C400] =	vst v63  }
0xeb: {  	_ =	swait.ge [sflag:s0], $0x4000  }
0xec: {  	[sflag:s0] =	ssyncset.done $0x0  }
0xed: {  	s15 =	rddreg [dreg:$0x9];
	[sflag:s0] =	ssyncadd.s32 $0xFFFFC000  }
0xee: {  	[hbm4b:s15+s3] =	stream.linear.scatter [tilespmem:s25], [sflag:$0xB], $0x4000, $0x38;
	[tilespmem:$0x1C400] =	vst v63  }
0xef: {  	_ =	swait.ge [sflag:s24], $0x4000  }
0xf0: {  	[sflag:s24] =	ssyncset.done $0x0  }
0xf1: {  	[sflag:s24] =	ssyncadd.s32 $0xFFFFC000  }
0xf2: {  	[tilespmem:s20], [sflag:$0x4] =	stream.indirect.gather.add.f32 [hbm:s1], $0x80, s13, s9, $0xb8;
	[tilespmem:$0x1C400] =	vst v63  }
0xf3: {  	_ =	swait.ge [sflag:s4], $0x4000  }
0xf4: {  	[sflag:s4] =	ssyncset.done $0x0  }
0xf5: {  	[sflag:s4] =	ssyncadd.s32 $0xFFFFC000  }
0xf6: {  	[tilespmem:s25], [sflag:$0x3] =	stream.linear.gather [spmem:s21], $0x4000, $0x38;
	[tilespmem:$0x1C400] =	vst v63  }
0xf7: {  	_ =	swait.ge [sflag:s6], $0x4000  }
0xf8: {  	[sflag:s6] =	ssyncset.done $0x0  }
0xf9: {  	s13 =	rddreg [dreg:$0xa];
	[sflag:s6] =	ssyncadd.s32 $0xFFFFC000  }
0xfa: {  	[hbm4b:s13+s3] =	stream.linear.scatter [tilespmem:s26], [sflag:$0xC], $0x4000, $0x38;
	[tilespmem:$0x1C400] =	vst v63  }
0xfb: {  	_ =	swait.ge [sflag:s24], $0x4000  }
0xfc: {  	[sflag:s24] =	ssyncset.done $0x0  }
0xfd: {  	[sflag:s24] =	ssyncadd.s32 $0xFFFFC000  }
0xfe: {  	[tilespmem:s22], [sflag:$0x5] =	stream.indirect.gather.add.f32 [hbm:s1], $0x80, s16, s9, $0xb8;
	[tilespmem:$0x1C400] =	vst v63  }
0xff: {  	_ =	swait.ge [sflag:s7], $0x4000  }
0x100: {  	[sflag:s7] =	ssyncset.done $0x0  }
0x101: {  	s14 =	rddreg [dreg:$0xb];
	[sflag:s7] =	ssyncadd.s32 $0xFFFFC000  }
0x102: {  	[hbm4b:s14+s3] =	stream.linear.scatter [tilespmem:s28], [sflag:$0xD], $0x4000, $0x38;
	[tilespmem:$0x1C400] =	vst v63  }
0x103: {  	_ =	swait.ge [sflag:s24], $0x4000  }
0x104: {  	[sflag:s24] =	ssyncset.done $0x0  }
0x105: {  	[sflag:s24] =	ssyncadd.s32 $0xFFFFC000  }
0x106: {  	[tilespmem:s25], [sflag:$0x6] =	stream.indirect.gather.add.f32 [hbm:s1], $0x80, s19, s9, $0xb8;
	[tilespmem:$0x1C400] =	vst v63  }
0x107: {  	_ =	swait.ge [sflag:s29], $0x4000  }
0x108: {  	[sflag:s29] =	ssyncset.done $0x0  }
0x109: {  	s15 =	rddreg [dreg:$0xc];
	[sflag:s29] =	ssyncadd.s32 $0xFFFFC000  }
0x10a: {  	[hbm4b:s15+s3] =	stream.linear.scatter [tilespmem:s20], [sflag:$0x9], $0x4000, $0x38;
	[tilespmem:$0x1C400] =	vst v63  }
0x10b: {  	_ =	swait.ge [sflag:s31], $0x4000  }
0x10c: {  	[sflag:s31] =	ssyncset.done $0x0  }
0x10d: {  	s16 =	rddreg [dreg:$0xd];
	[sflag:s31] =	ssyncadd.s32 $0xFFFFC000  }
0x10e: {  	[hbm4b:s16+s3] =	stream.linear.scatter [tilespmem:s22], [sflag:$0xA], $0x4000, $0x38;
	[tilespmem:$0x1C400] =	vst v63  }
0x10f: {  	_ =	swait.ge [sflag:s0], $0x4000  }
0x110: {  	[sflag:s0] =	ssyncset.done $0x0  }
0x111: {  	s19 =	rddreg [dreg:$0xe];
	[sflag:s0] =	ssyncadd.s32 $0xFFFFC000  }
0x112: {  	[hbm4b:s19+s3] =	stream.linear.scatter [tilespmem:s25], [sflag:$0xB], $0x4000, $0x38;
	[tilespmem:$0x1C400] =	vst v63  }
0x113: {  	_ =	swait.ge [sflag:s8], $0x4000  }
0x114: {  	[sflag:s8] =	ssyncset.done $0x0  }
0x115: {  	[sflag:s8] =	ssyncadd.s32 $0xFFFFC000  }
0x116: {  	_ =	swait.ge [sflag:s10], $0x4000  }
0x117: {  	[sflag:s10] =	ssyncset.done $0x0  }
0x118: {  	[sflag:s10] =	ssyncadd.s32 $0xFFFFC000  }
0x119: {  	_ =	swait.ge [sflag:s30], $0x4000  }
0x11a: {  	p0 =	sne.s32 s11, $0x1;
	[sflag:s30] =	ssyncset.done $0x0  }
.Ltmp1:
0x11b: {  	[sflag:s30] =	ssyncadd.s32 $0xFFFFC000;
	(pc) =	sbr.rel @p0 .LBB2_2-.Ltmp1, $4  }
0x11c: {  	_ =	swait.ge [sflag:s2], $0x4000  }
0x11d: {  	[sflag:s2] =	ssyncset.done $0x0  }
0x11e: {  	[sflag:s2] =	ssyncadd.s32 $0xFFFFC000  }
0x11f: {  	s11 =	sadd.s32 $0xFFFFFFFF, s11;
	_ =	swait.ge [sflag:s4], $0x4000  }
.LBB2_3:
0x120: {  	[sflag:s4] =	ssyncset.done $0x0  }
0x121: {  	[sflag:s4] =	ssyncadd.s32 $0xFFFFC000  }
0x122: {  	_ =	sfence.sel $0x180000  }
0x123: {  	[bflag:$0x0] =	sbarrier.arrive $0xFFFF  }
0x124: {  	_ =	strace $0x90000047  }
0x125: {  	s0 =	stileid.u32;
	[bflag:$0x2] =	sbarrier.arrive $0xFFFF  }
0x126: {  	p0 =	sne.s32 s0, $0x0;
	s0 =	rddreg [dreg:$0x5]  }
0x127: {  	s0 =	sadd.s32 @!p0 $0x100000, s0  }
0x128: {  	[sflag:s0] =	ssyncadd.tile.s32 @!p0 $0x1;
	_ =	shalt  }
.Lfunc_end2:
_tile_overlayer_lowered:
.L_overlay_start_2:
0x129: {  	(tag) =	ssettag $0x2  }
0x12a: {  	s0 =	rddreg [dreg:$0x0];
	s2 =	stileid.u32  }
0x12b: {  	s1 =	rddreg [dreg:$0x1];
	p0 =	sne.s32 s2, $0x0  }
0x12c: {  	s3 =	rddreg [dreg:$0x2];
	[bflag:$0x3] =	sbarrier.arrive $0xFFFF;
	s2 =	simm.s32 @!p0 $0x1C0E  }
0x12d: {  	[timem:s3], [sflag:s2] =	dma.local @!p0 [hbm:s0], s1  }
0x12e: {  	s0 =	simm.s32 @!p0 $0xE  }
0x12f: {  	_ =	swait.ge @!p0 [sflag:s0], s1  }
0x130: {  	s1 =	ssub.s32 @!p0 $0x0, s1;
	[sflag:s0] =	ssyncset.done @!p0 $0x0  }
0x131: {  	[sflag:s0] =	ssyncadd.s32 @!p0 s1  }
0x132: {  	[bflag:$0x3] =	sbarrier.arrive $0xFFFF  }
0x133: {  	_ =	shalt  }

</sc_bundles>
